<compile_context>
chip_gen: v7x
topology: tpu7x:2x2x1
jax: 0.10.2.dev20260603
libtpu: 0.0.44.dev20260713+nightly
codegen_flags: <defaults>
</compile_context>

<pallas_src>
import functools

import jax
import jax.numpy as jnp
from jax import lax
from jax.experimental import pallas as pl
from jax.experimental.pallas import tpu as pltpu
from jax.experimental.pallas import tpu_sc as plsc

N_NODES = 10000
N_EDGES = 320000
D_FEAT = 128
N_OUT = 4

NC, NS, L = 2, 16, 16
NW = NC * NS
BLK = 128
N_BLKS = N_EDGES // BLK
BASE_BPW = N_BLKS // NW
EXTRA = N_BLKS - BASE_BPW * NW
MAX_BPW = BASE_BPW + 1
GPB = BLK // L


def _mm_body(w_ref, x_ref, yt_ref):
    yt_ref[...] = jax.lax.dot_general(
        w_ref[...], x_ref[...], (((1,), (1,)), ((), ())),
        preferred_element_type=jnp.float32)


def _node_proj_t(w, x):
    return pl.pallas_call(
        _mm_body,
        out_shape=jax.ShapeDtypeStruct((N_OUT, N_NODES), jnp.float32),
    )(w, x)


@functools.cache
def _make_edge_kernel():
    mesh = plsc.VectorSubcoreMesh(core_axis_name="c", subcore_axis_name="s")

    @functools.partial(
        pl.kernel,
        mesh=mesh,
        out_type=jax.ShapeDtypeStruct((2, N_BLKS, 2, BLK), jnp.float32),
        scratch_types=[
            pltpu.VMEM((N_NODES * N_OUT,), jnp.float32),
            pltpu.VMEM((MAX_BPW, 2, BLK), jnp.int32),
            pltpu.VMEM((2, MAX_BPW, 2, BLK), jnp.float32),
            pltpu.SemaphoreType.DMA,
            pltpu.SemaphoreType.DMA,
        ],
        compiler_params=pltpu.CompilerParams(
            needs_layout_passes=False, use_tc_tiling_on_sc=False),
    )
    def edge_kernel(y_hbm, ei_hbm, out_hbm, y_v, ei_v, out_v,
                    sem_in, sem_out):
        wid = lax.axis_index("s") * NC + lax.axis_index("c")
        nb = jnp.where(wid < EXTRA, MAX_BPW, BASE_BPW)
        b0 = wid * BASE_BPW + jnp.minimum(wid, EXTRA)
        cy = pltpu.async_copy(y_hbm, y_v, sem_in)
        ce = pltpu.async_copy(ei_hbm.at[pl.ds(b0, nb)],
                              ei_v.at[pl.ds(0, nb)], sem_in)
        cy.wait()
        ce.wait()

        def run_groups(b_lo, b_hi):
            @plsc.parallel_loop(b_lo * GPB, b_hi * GPB)
            def body(g):
                blk = g // GPB
                el0 = (g % GPB) * L
                rv = ei_v[blk, 0, pl.ds(el0, L)]
                cv = ei_v[blk, 1, pl.ds(el0, L)]
                for j in range(N_OUT):
                    a = plsc.load_gather(y_v, [rv + (j * N_NODES)])
                    b = plsc.load_gather(y_v, [cv + (j * N_NODES)])
                    e2 = jnp.exp((a + b) * 2.0)
                    t = 1.0 - 2.0 / (e2 + 1.0)
                    out_v[j // 2, blk, j % 2, pl.ds(el0, L)] = t

        def flush_blocks(lo, n):
            return [
                pltpu.async_copy(out_v.at[i, pl.ds(lo, n), jj],
                                 out_hbm.at[i, pl.ds(b0 + lo, n), jj],
                                 sem_out)
                for i in range(2) for jj in range(2)
            ]

        h1 = nb // 2
        run_groups(0, h1)
        c1 = flush_blocks(0, h1)
        run_groups(h1, nb)
        c2 = flush_blocks(h1, nb - h1)
        for c in c1 + c2:
            c.wait()

    return edge_kernel


def kernel(x, edge_index, W):
    yt = _node_proj_t(W, x)
    ei_blocks = edge_index.reshape(2, N_BLKS, BLK).transpose(1, 0, 2)
    out = _make_edge_kernel()(yt.reshape(-1), ei_blocks)
    return out.transpose(1, 3, 0, 2).reshape(N_EDGES, 2, 2)

# --- scband reference (transcript-rebuilt; emitter-appended) ---
"""Pipeline reference for scband-local-concat-sheaf-learner-variant-55628416418072 (READ-ONLY COPY).

The authoritative reference and input builder live on the scoring server;
editing this copy changes nothing except your own understanding.
"""

import jax, jax.numpy as jnp
import numpy as np

D = 2
HID = 64
OUT_SHAPE = (2, 2)
N_NODES = 10000
N_EDGES = 320000
D_FEAT = D * HID  # 128


def setup_inputs(seed: int = 0) -> dict:
    key = jax.random.key(seed)
    k1, k2, k3 = jax.random.split(key, 3)
    x = jax.random.normal(k1, (N_NODES, D_FEAT), dtype=jnp.float32)
    edge_index = jax.random.randint(k2, (2, N_EDGES), 0, N_NODES, dtype=jnp.int32)
    # linear1: nn.Linear(hidden_channels*2, prod(out_shape), bias=False)
    fan_in = HID * 2
    bound = 1.0 / np.sqrt(fan_in)
    W = jax.random.uniform(k3, (int(np.prod(OUT_SHAPE)), fan_in), dtype=jnp.float32, minval=-bound, maxval=bound)
    return {"x": x, "edge_index": edge_index, "W": W}


def reference(x, edge_index, W):
    row = edge_index[0]
    col = edge_index[1]
    x_row = jnp.take(x, row, axis=0)
    x_col = jnp.take(x, col, axis=0)
    x_cat = jnp.concatenate([x_row, x_col], axis=-1)  # [E, 2*d*hid]
    x_cat = x_cat.reshape(-1, D, HID * 2).sum(axis=1)  # [E, 2*hid]
    maps = x_cat @ W.T  # [E, prod(out_shape)]
    maps = jnp.tanh(maps)
    return maps.reshape(-1, OUT_SHAPE[0], OUT_SHAPE[1])

if __name__ == "__main__":
    import jax
    _d = setup_inputs()
    print(jax.jit(kernel)(*tuple(_d.values())))

</pallas_src>

<mosaic_0001>
#map = affine_map<(d0, d1) -> (0)>
#map1 = affine_map<(d0, d1) -> (0, 0, 0)>
#map2 = affine_map<(d0, d1) -> (0, 0, 0, 0)>
module attributes {stable_mosaic.version = 14 : i64} {
  func.func @edge_kernel(%arg0: i32, %arg1: i32, %arg2: memref<40000xf32, #tpu.memory_space<hbm>>, %arg3: memref<2500x2x128xi32, #tpu.memory_space<hbm>>, %arg4: memref<2x2500x2x128xf32, #tpu.memory_space<hbm>>, %arg5: memref<40000xf32, #tpu.memory_space<vmem>>, %arg6: memref<79x2x128xi32, #tpu.memory_space<vmem>>, %arg7: memref<2x79x2x128xf32, #tpu.memory_space<vmem>>, %arg8: memref<!tpu.dma_semaphore, #tpu.memory_space<semaphore_mem>>, %arg9: memref<!tpu.dma_semaphore, #tpu.memory_space<semaphore_mem>>) attributes {dimension_semantics = [#tpu.dimension_semantics<core_parallel>, #tpu.dimension_semantics<subcore_parallel>], iteration_bounds = array<i64: 2, 16>, scalar_prefetch = 0 : i64, scratch_operands = 5 : i64, tpu.core_type = #tpu.core_type<sc_vector_subcore>, window_params = [{transform_indices = #map}, {transform_indices = #map1}, {transform_indices = #map2}]} {
    %mul3A = arith.constant 2 : i32
    %mul3A_0 = arith.muli %arg1, %mul3A : i32
    %add3A = arith.addi %mul3A_0, %arg0 : i32
    %lt3A = arith.constant 4 : i32
    %lt3A_1 = arith.cmpi slt, %add3A, %lt3A : i32
    %jit3A = arith.constant 79 : i32
    %jit3A_2 = arith.constant 78 : i32
    %select_n3A = arith.select %lt3A_1, %jit3A, %jit3A_2 : i32
    %mul3A_3 = arith.constant 78 : i32
    %mul3A_4 = arith.muli %add3A, %mul3A_3 : i32
    %min3A = arith.constant 4 : i32
    %min3A_5 = arith.minsi %add3A, %min3A : i32
    %add3A_6 = arith.addi %mul3A_4, %min3A_5 : i32
    tpu.enqueue_dma source(%arg2 : memref<40000xf32, #tpu.memory_space<hbm>>) target(%arg5 : memref<40000xf32, #tpu.memory_space<vmem>>) target_semaphore(%arg8 : memref<!tpu.dma_semaphore, #tpu.memory_space<semaphore_mem>>)
    %dma_start3A = arith.constant 0 : i32
    %dma_start3A_7 = arith.constant 0 : i32
    %dma_start3A_8 = arith.constant 0 : i32
    %dma_start3A_9 = tpu.memref_slice %arg6[%dma_start3A, %dma_start3A_7, %dma_start3A_8] <%select_n3A> : memref<79x2x128xi32, #tpu.memory_space<vmem>> -> memref<?x2x128xi32, #tpu.memory_space<vmem>>
    %dma_start3A_10 = arith.constant 0 : i32
    %dma_start3A_11 = arith.constant 0 : i32
    %dma_start3A_12 = tpu.memref_slice %arg3[%add3A_6, %dma_start3A_10, %dma_start3A_11] <%select_n3A> : memref<2500x2x128xi32, #tpu.memory_space<hbm>> -> memref<?x2x128xi32, #tpu.memory_space<hbm>>
    %dma_start3A_13 = arith.constant 0 : i32
    %dma_start3A_14 = arith.constant 0 : i32
    %dma_start3A_15 = arith.constant 0 : i32
    %dma_start3A_16 = tpu.memref_slice %arg6[%dma_start3A_13, %dma_start3A_14, %dma_start3A_15] <%select_n3A> : memref<79x2x128xi32, #tpu.memory_space<vmem>> -> memref<?x2x128xi32, #tpu.memory_space<vmem>>
    %dma_start3A_17 = arith.constant 0 : i32
    %dma_start3A_18 = arith.constant 0 : i32
    %dma_start3A_19 = tpu.memref_slice %arg3[%add3A_6, %dma_start3A_17, %dma_start3A_18] <%select_n3A> : memref<2500x2x128xi32, #tpu.memory_space<hbm>> -> memref<?x2x128xi32, #tpu.memory_space<hbm>>
    tpu.enqueue_dma source(%dma_start3A_19 : memref<?x2x128xi32, #tpu.memory_space<hbm>>) target(%dma_start3A_16 : memref<?x2x128xi32, #tpu.memory_space<vmem>>) target_semaphore(%arg8 : memref<!tpu.dma_semaphore, #tpu.memory_space<semaphore_mem>>)
    tpu.wait_dma2 semaphore(%arg8 : memref<!tpu.dma_semaphore, #tpu.memory_space<semaphore_mem>>) src(%arg2 : memref<40000xf32, #tpu.memory_space<hbm>>) dst(%arg5 : memref<40000xf32, #tpu.memory_space<vmem>>)
    %dma_wait3A = arith.constant 0 : i32
    %dma_wait3A_20 = arith.constant 0 : i32
    %dma_wait3A_21 = arith.constant 0 : i32
    %dma_wait3A_22 = tpu.memref_slice %arg6[%dma_wait3A, %dma_wait3A_20, %dma_wait3A_21] <%select_n3A> : memref<79x2x128xi32, #tpu.memory_space<vmem>> -> memref<?x2x128xi32, #tpu.memory_space<vmem>>
    %dma_wait3A_23 = arith.constant 0 : i32
    %dma_wait3A_24 = arith.constant 0 : i32
    %dma_wait3A_25 = tpu.memref_slice %arg3[%add3A_6, %dma_wait3A_23, %dma_wait3A_24] <%select_n3A> : memref<2500x2x128xi32, #tpu.memory_space<hbm>> -> memref<?x2x128xi32, #tpu.memory_space<hbm>>
    %dma_wait3A_26 = arith.constant 0 : i32
    %dma_wait3A_27 = arith.constant 0 : i32
    %dma_wait3A_28 = arith.constant 0 : i32
    %dma_wait3A_29 = tpu.memref_slice %arg6[%dma_wait3A_26, %dma_wait3A_27, %dma_wait3A_28] <%select_n3A> : memref<79x2x128xi32, #tpu.memory_space<vmem>> -> memref<?x2x128xi32, #tpu.memory_space<vmem>>
    %dma_wait3A_30 = arith.constant 0 : i32
    %dma_wait3A_31 = arith.constant 0 : i32
    %dma_wait3A_32 = tpu.memref_slice %arg3[%add3A_6, %dma_wait3A_30, %dma_wait3A_31] <%select_n3A> : memref<2500x2x128xi32, #tpu.memory_space<hbm>> -> memref<?x2x128xi32, #tpu.memory_space<hbm>>
    tpu.wait_dma2 semaphore(%arg8 : memref<!tpu.dma_semaphore, #tpu.memory_space<semaphore_mem>>) src(%dma_wait3A_32 : memref<?x2x128xi32, #tpu.memory_space<hbm>>) dst(%dma_wait3A_29 : memref<?x2x128xi32, #tpu.memory_space<vmem>>)
    %jit3A_33 = arith.constant 2 : i32
    %div3A = arith.divsi %select_n3A, %jit3A_33 : i32
    %sign3A = arith.constant 0 : i32
    %sign3A_34 = arith.cmpi sgt, %select_n3A, %sign3A : i32
    %sign3A_35 = arith.extui %sign3A_34 : i1 to i32
    %sign3A_36 = arith.constant 0 : i32
    %sign3A_37 = arith.cmpi slt, %select_n3A, %sign3A_36 : i32
    %sign3A_38 = arith.extui %sign3A_37 : i1 to i32
    %sign3A_39 = arith.subi %sign3A_35, %sign3A_38 : i32
    %sign3A_40 = arith.constant 0 : i32
    %sign3A_41 = arith.cmpi sgt, %jit3A_33, %sign3A_40 : i32
    %sign3A_42 = arith.extui %sign3A_41 : i1 to i32
    %sign3A_43 = arith.constant 0 : i32
    %sign3A_44 = arith.cmpi slt, %jit3A_33, %sign3A_43 : i32
    %sign3A_45 = arith.extui %sign3A_44 : i1 to i32
    %sign3A_46 = arith.subi %sign3A_42, %sign3A_45 : i32
    %ne3A = arith.cmpi ne, %sign3A_39, %sign3A_46 : i32
    %rem3A = arith.remsi %select_n3A, %jit3A_33 : i32
    %ne3A_47 = arith.constant 0 : i32
    %ne3A_48 = arith.cmpi ne, %rem3A, %ne3A_47 : i32
    %and3A = arith.andi %ne3A, %ne3A_48 : i1
    %sub3A = arith.constant 1 : i32
    %sub3A_49 = arith.subi %div3A, %sub3A : i32
    %select_n3A_50 = arith.select %and3A, %sub3A_49, %div3A : i32
    %mul3A_51 = arith.constant 8 : i32
    %mul3A_52 = arith.muli %select_n3A_50, %mul3A_51 : i32
    %parallel_loop3A = arith.constant 0 : i32
    %parallel_loop3A_53 = arith.constant 1 : i32
    scf.for %parallel_loop3A_344 = %parallel_loop3A to %mul3A_52 step %parallel_loop3A_53  : i32 {
      %parallel_loop3A_345 = arith.constant 8 : i32
      %parallel_loop3A_346 = arith.divsi %parallel_loop3A_344, %parallel_loop3A_345 : i32
      %parallel_loop3A_347 = arith.constant 0 : i32
      %parallel_loop3A_348 = arith.cmpi sgt, %parallel_loop3A_344, %parallel_loop3A_347 : i32
      %parallel_loop3A_349 = arith.extui %parallel_loop3A_348 : i1 to i32
      %parallel_loop3A_350 = arith.constant 0 : i32
      %parallel_loop3A_351 = arith.cmpi slt, %parallel_loop3A_344, %parallel_loop3A_350 : i32
      %parallel_loop3A_352 = arith.extui %parallel_loop3A_351 : i1 to i32
      %parallel_loop3A_353 = arith.subi %parallel_loop3A_349, %parallel_loop3A_352 : i32
      %parallel_loop3A_354 = arith.constant 0 : i32
      %parallel_loop3A_355 = arith.cmpi sgt, %parallel_loop3A_345, %parallel_loop3A_354 : i32
      %parallel_loop3A_356 = arith.extui %parallel_loop3A_355 : i1 to i32
      %parallel_loop3A_357 = arith.constant 0 : i32
      %parallel_loop3A_358 = arith.cmpi slt, %parallel_loop3A_345, %parallel_loop3A_357 : i32
      %parallel_loop3A_359 = arith.extui %parallel_loop3A_358 : i1 to i32
      %parallel_loop3A_360 = arith.subi %parallel_loop3A_356, %parallel_loop3A_359 : i32
      %parallel_loop3A_361 = arith.cmpi ne, %parallel_loop3A_353, %parallel_loop3A_360 : i32
      %parallel_loop3A_362 = arith.remsi %parallel_loop3A_344, %parallel_loop3A_345 : i32
      %parallel_loop3A_363 = arith.constant 0 : i32
      %parallel_loop3A_364 = arith.cmpi ne, %parallel_loop3A_362, %parallel_loop3A_363 : i32
      %parallel_loop3A_365 = arith.andi %parallel_loop3A_361, %parallel_loop3A_364 : i1
      %parallel_loop3A_366 = arith.constant 1 : i32
      %parallel_loop3A_367 = arith.subi %parallel_loop3A_346, %parallel_loop3A_366 : i32
      %parallel_loop3A_368 = arith.select %parallel_loop3A_365, %parallel_loop3A_367, %parallel_loop3A_346 : i32
      %parallel_loop3A_369 = arith.constant 8 : i32
      %parallel_loop3A_370 = arith.constant 0 : i32
      %parallel_loop3A_371 = arith.cmpi eq, %parallel_loop3A_369, %parallel_loop3A_370 : i32
      %parallel_loop3A_372 = arith.constant 1 : i32
      %parallel_loop3A_373 = arith.select %parallel_loop3A_371, %parallel_loop3A_372, %parallel_loop3A_369 : i32
      %parallel_loop3A_374 = arith.remsi %parallel_loop3A_344, %parallel_loop3A_373 : i32
      %parallel_loop3A_375 = arith.constant 0 : i32
      %parallel_loop3A_376 = arith.cmpi ne, %parallel_loop3A_374, %parallel_loop3A_375 : i32
      %parallel_loop3A_377 = arith.constant 0 : i32
      %parallel_loop3A_378 = arith.cmpi slt, %parallel_loop3A_374, %parallel_loop3A_377 : i32
      %parallel_loop3A_379 = arith.constant 0 : i32
      %parallel_loop3A_380 = arith.cmpi slt, %parallel_loop3A_373, %parallel_loop3A_379 : i32
      %parallel_loop3A_381 = arith.xori %parallel_loop3A_378, %parallel_loop3A_380 : i1
      %parallel_loop3A_382 = arith.andi %parallel_loop3A_381, %parallel_loop3A_376 : i1
      %parallel_loop3A_383 = arith.addi %parallel_loop3A_374, %parallel_loop3A_373 : i32
      %parallel_loop3A_384 = arith.select %parallel_loop3A_382, %parallel_loop3A_383, %parallel_loop3A_374 : i32
      %parallel_loop3A_385 = arith.constant 16 : i32
      %parallel_loop3A_386 = arith.muli %parallel_loop3A_384, %parallel_loop3A_385 : i32
      %parallel_loop3A_387 = arith.constant 0 : i32
      %parallel_loop3A_388 = arith.index_cast %parallel_loop3A_368 : i32 to index
      %parallel_loop3A_389 = arith.index_cast %parallel_loop3A_387 : i32 to index
      %parallel_loop3A_390 = arith.index_cast %parallel_loop3A_386 : i32 to index
      %parallel_loop3A_391 = tpu.vector_load %arg6[%parallel_loop3A_388, %parallel_loop3A_389, %parallel_loop3A_390] {strides = array<i32>} : memref<79x2x128xi32, #tpu.memory_space<vmem>>, vector<16xi32>,
      %parallel_loop3A_392 = arith.constant 1 : i32
      %parallel_loop3A_393 = arith.index_cast %parallel_loop3A_368 : i32 to index
      %parallel_loop3A_394 = arith.index_cast %parallel_loop3A_392 : i32 to index
      %parallel_loop3A_395 = arith.index_cast %parallel_loop3A_386 : i32 to index
      %parallel_loop3A_396 = tpu.vector_load %arg6[%parallel_loop3A_393, %parallel_loop3A_394, %parallel_loop3A_395] {strides = array<i32>} : memref<79x2x128xi32, #tpu.memory_space<vmem>>, vector<16xi32>,
      %parallel_loop3A_397 = arith.constant 0 : i32
      %parallel_loop3A_398 = vector.broadcast %parallel_loop3A_397 : i32 to vector<16xi32>
      %parallel_loop3A_399 = arith.addi %parallel_loop3A_391, %parallel_loop3A_398 : vector<16xi32>
      %parallel_loop3A_400 = tpu.vector_load_idx %arg5[%parallel_loop3A_399] : memref<40000xf32, #tpu.memory_space<vmem>>[vector<16xi32>], vector<16xf32>,
      %parallel_loop3A_401 = arith.constant 0 : i32
      %parallel_loop3A_402 = vector.broadcast %parallel_loop3A_401 : i32 to vector<16xi32>
      %parallel_loop3A_403 = arith.addi %parallel_loop3A_396, %parallel_loop3A_402 : vector<16xi32>
      %parallel_loop3A_404 = tpu.vector_load_idx %arg5[%parallel_loop3A_403] : memref<40000xf32, #tpu.memory_space<vmem>>[vector<16xi32>], vector<16xf32>,
      %parallel_loop3A_405 = arith.addf %parallel_loop3A_400, %parallel_loop3A_404 : vector<16xf32>
      %parallel_loop3A_406 = arith.constant 2.000000e+00 : f32
      %parallel_loop3A_407 = vector.broadcast %parallel_loop3A_406 : f32 to vector<16xf32>
      %parallel_loop3A_408 = arith.mulf %parallel_loop3A_405, %parallel_loop3A_407 : vector<16xf32>
      %parallel_loop3A_409 = math.exp %parallel_loop3A_408 : vector<16xf32>
      %parallel_loop3A_410 = arith.constant 1.000000e+00 : f32
      %parallel_loop3A_411 = vector.broadcast %parallel_loop3A_410 : f32 to vector<16xf32>
      %parallel_loop3A_412 = arith.addf %parallel_loop3A_409, %parallel_loop3A_411 : vector<16xf32>
      %parallel_loop3A_413 = arith.constant 2.000000e+00 : f32
      %parallel_loop3A_414 = vector.broadcast %parallel_loop3A_413 : f32 to vector<16xf32>
      %parallel_loop3A_415 = arith.divf %parallel_loop3A_414, %parallel_loop3A_412 : vector<16xf32>
      %parallel_loop3A_416 = arith.constant 1.000000e+00 : f32
      %parallel_loop3A_417 = vector.broadcast %parallel_loop3A_416 : f32 to vector<16xf32>
      %parallel_loop3A_418 = arith.subf %parallel_loop3A_417, %parallel_loop3A_415 : vector<16xf32>
      %parallel_loop3A_419 = arith.constant 0 : i32
      %parallel_loop3A_420 = arith.constant 0 : i32
      %parallel_loop3A_421 = arith.index_cast %parallel_loop3A_419 : i32 to index
      %parallel_loop3A_422 = arith.index_cast %parallel_loop3A_368 : i32 to index
      %parallel_loop3A_423 = arith.index_cast %parallel_loop3A_420 : i32 to index
      %parallel_loop3A_424 = arith.index_cast %parallel_loop3A_386 : i32 to index
      %parallel_loop3A_425 = tpu.vector_load %arg7[%parallel_loop3A_421, %parallel_loop3A_422, %parallel_loop3A_423, %parallel_loop3A_424] {strides = array<i32>} : memref<2x79x2x128xf32, #tpu.memory_space<vmem>>, vector<16xf32>,
      tpu.vector_store %arg7[%parallel_loop3A_421, %parallel_loop3A_422, %parallel_loop3A_423, %parallel_loop3A_424], %parallel_loop3A_418 {strides = array<i32>} : memref<2x79x2x128xf32, #tpu.memory_space<vmem>>, vector<16xf32>,
      %parallel_loop3A_426 = arith.constant 10000 : i32
      %parallel_loop3A_427 = vector.broadcast %parallel_loop3A_426 : i32 to vector<16xi32>
      %parallel_loop3A_428 = arith.addi %parallel_loop3A_391, %parallel_loop3A_427 : vector<16xi32>
      %parallel_loop3A_429 = tpu.vector_load_idx %arg5[%parallel_loop3A_428] : memref<40000xf32, #tpu.memory_space<vmem>>[vector<16xi32>], vector<16xf32>,
      %parallel_loop3A_430 = arith.constant 10000 : i32
      %parallel_loop3A_431 = vector.broadcast %parallel_loop3A_430 : i32 to vector<16xi32>
      %parallel_loop3A_432 = arith.addi %parallel_loop3A_396, %parallel_loop3A_431 : vector<16xi32>
      %parallel_loop3A_433 = tpu.vector_load_idx %arg5[%parallel_loop3A_432] : memref<40000xf32, #tpu.memory_space<vmem>>[vector<16xi32>], vector<16xf32>,
      %parallel_loop3A_434 = arith.addf %parallel_loop3A_429, %parallel_loop3A_433 : vector<16xf32>
      %parallel_loop3A_435 = arith.constant 2.000000e+00 : f32
      %parallel_loop3A_436 = vector.broadcast %parallel_loop3A_435 : f32 to vector<16xf32>
      %parallel_loop3A_437 = arith.mulf %parallel_loop3A_434, %parallel_loop3A_436 : vector<16xf32>
      %parallel_loop3A_438 = math.exp %parallel_loop3A_437 : vector<16xf32>
      %parallel_loop3A_439 = arith.constant 1.000000e+00 : f32
      %parallel_loop3A_440 = vector.broadcast %parallel_loop3A_439 : f32 to vector<16xf32>
      %parallel_loop3A_441 = arith.addf %parallel_loop3A_438, %parallel_loop3A_440 : vector<16xf32>
      %parallel_loop3A_442 = arith.constant 2.000000e+00 : f32
      %parallel_loop3A_443 = vector.broadcast %parallel_loop3A_442 : f32 to vector<16xf32>
      %parallel_loop3A_444 = arith.divf %parallel_loop3A_443, %parallel_loop3A_441 : vector<16xf32>
      %parallel_loop3A_445 = arith.constant 1.000000e+00 : f32
      %parallel_loop3A_446 = vector.broadcast %parallel_loop3A_445 : f32 to vector<16xf32>
      %parallel_loop3A_447 = arith.subf %parallel_loop3A_446, %parallel_loop3A_444 : vector<16xf32>
      %parallel_loop3A_448 = arith.constant 0 : i32
      %parallel_loop3A_449 = arith.constant 1 : i32
      %parallel_loop3A_450 = arith.index_cast %parallel_loop3A_448 : i32 to index
      %parallel_loop3A_451 = arith.index_cast %parallel_loop3A_368 : i32 to index
      %parallel_loop3A_452 = arith.index_cast %parallel_loop3A_449 : i32 to index
      %parallel_loop3A_453 = arith.index_cast %parallel_loop3A_386 : i32 to index
      %parallel_loop3A_454 = tpu.vector_load %arg7[%parallel_loop3A_450, %parallel_loop3A_451, %parallel_loop3A_452, %parallel_loop3A_453] {strides = array<i32>} : memref<2x79x2x128xf32, #tpu.memory_space<vmem>>, vector<16xf32>,
      tpu.vector_store %arg7[%parallel_loop3A_450, %parallel_loop3A_451, %parallel_loop3A_452, %parallel_loop3A_453], %parallel_loop3A_447 {strides = array<i32>} : memref<2x79x2x128xf32, #tpu.memory_space<vmem>>, vector<16xf32>,
      %parallel_loop3A_455 = arith.constant 20000 : i32
      %parallel_loop3A_456 = vector.broadcast %parallel_loop3A_455 : i32 to vector<16xi32>
      %parallel_loop3A_457 = arith.addi %parallel_loop3A_391, %parallel_loop3A_456 : vector<16xi32>
      %parallel_loop3A_458 = tpu.vector_load_idx %arg5[%parallel_loop3A_457] : memref<40000xf32, #tpu.memory_space<vmem>>[vector<16xi32>], vector<16xf32>,
      %parallel_loop3A_459 = arith.constant 20000 : i32
      %parallel_loop3A_460 = vector.broadcast %parallel_loop3A_459 : i32 to vector<16xi32>
      %parallel_loop3A_461 = arith.addi %parallel_loop3A_396, %parallel_loop3A_460 : vector<16xi32>
      %parallel_loop3A_462 = tpu.vector_load_idx %arg5[%parallel_loop3A_461] : memref<40000xf32, #tpu.memory_space<vmem>>[vector<16xi32>], vector<16xf32>,
      %parallel_loop3A_463 = arith.addf %parallel_loop3A_458, %parallel_loop3A_462 : vector<16xf32>
      %parallel_loop3A_464 = arith.constant 2.000000e+00 : f32
      %parallel_loop3A_465 = vector.broadcast %parallel_loop3A_464 : f32 to vector<16xf32>
      %parallel_loop3A_466 = arith.mulf %parallel_loop3A_463, %parallel_loop3A_465 : vector<16xf32>
      %parallel_loop3A_467 = math.exp %parallel_loop3A_466 : vector<16xf32>
      %parallel_loop3A_468 = arith.constant 1.000000e+00 : f32
      %parallel_loop3A_469 = vector.broadcast %parallel_loop3A_468 : f32 to vector<16xf32>
      %parallel_loop3A_470 = arith.addf %parallel_loop3A_467, %parallel_loop3A_469 : vector<16xf32>
      %parallel_loop3A_471 = arith.constant 2.000000e+00 : f32
      %parallel_loop3A_472 = vector.broadcast %parallel_loop3A_471 : f32 to vector<16xf32>
      %parallel_loop3A_473 = arith.divf %parallel_loop3A_472, %parallel_loop3A_470 : vector<16xf32>
      %parallel_loop3A_474 = arith.constant 1.000000e+00 : f32
      %parallel_loop3A_475 = vector.broadcast %parallel_loop3A_474 : f32 to vector<16xf32>
      %parallel_loop3A_476 = arith.subf %parallel_loop3A_475, %parallel_loop3A_473 : vector<16xf32>
      %parallel_loop3A_477 = arith.constant 1 : i32
      %parallel_loop3A_478 = arith.constant 0 : i32
      %parallel_loop3A_479 = arith.index_cast %parallel_loop3A_477 : i32 to index
      %parallel_loop3A_480 = arith.index_cast %parallel_loop3A_368 : i32 to index
      %parallel_loop3A_481 = arith.index_cast %parallel_loop3A_478 : i32 to index
      %parallel_loop3A_482 = arith.index_cast %parallel_loop3A_386 : i32 to index
      %parallel_loop3A_483 = tpu.vector_load %arg7[%parallel_loop3A_479, %parallel_loop3A_480, %parallel_loop3A_481, %parallel_loop3A_482] {strides = array<i32>} : memref<2x79x2x128xf32, #tpu.memory_space<vmem>>, vector<16xf32>,
      tpu.vector_store %arg7[%parallel_loop3A_479, %parallel_loop3A_480, %parallel_loop3A_481, %parallel_loop3A_482], %parallel_loop3A_476 {strides = array<i32>} : memref<2x79x2x128xf32, #tpu.memory_space<vmem>>, vector<16xf32>,
      %parallel_loop3A_484 = arith.constant 30000 : i32
      %parallel_loop3A_485 = vector.broadcast %parallel_loop3A_484 : i32 to vector<16xi32>
      %parallel_loop3A_486 = arith.addi %parallel_loop3A_391, %parallel_loop3A_485 : vector<16xi32>
      %parallel_loop3A_487 = tpu.vector_load_idx %arg5[%parallel_loop3A_486] : memref<40000xf32, #tpu.memory_space<vmem>>[vector<16xi32>], vector<16xf32>,
      %parallel_loop3A_488 = arith.constant 30000 : i32
      %parallel_loop3A_489 = vector.broadcast %parallel_loop3A_488 : i32 to vector<16xi32>
      %parallel_loop3A_490 = arith.addi %parallel_loop3A_396, %parallel_loop3A_489 : vector<16xi32>
      %parallel_loop3A_491 = tpu.vector_load_idx %arg5[%parallel_loop3A_490] : memref<40000xf32, #tpu.memory_space<vmem>>[vector<16xi32>], vector<16xf32>,
      %parallel_loop3A_492 = arith.addf %parallel_loop3A_487, %parallel_loop3A_491 : vector<16xf32>
      %parallel_loop3A_493 = arith.constant 2.000000e+00 : f32
      %parallel_loop3A_494 = vector.broadcast %parallel_loop3A_493 : f32 to vector<16xf32>
      %parallel_loop3A_495 = arith.mulf %parallel_loop3A_492, %parallel_loop3A_494 : vector<16xf32>
      %parallel_loop3A_496 = math.exp %parallel_loop3A_495 : vector<16xf32>
      %parallel_loop3A_497 = arith.constant 1.000000e+00 : f32
      %parallel_loop3A_498 = vector.broadcast %parallel_loop3A_497 : f32 to vector<16xf32>
      %parallel_loop3A_499 = arith.addf %parallel_loop3A_496, %parallel_loop3A_498 : vector<16xf32>
      %parallel_loop3A_500 = arith.constant 2.000000e+00 : f32
      %parallel_loop3A_501 = vector.broadcast %parallel_loop3A_500 : f32 to vector<16xf32>
      %parallel_loop3A_502 = arith.divf %parallel_loop3A_501, %parallel_loop3A_499 : vector<16xf32>
      %parallel_loop3A_503 = arith.constant 1.000000e+00 : f32
      %parallel_loop3A_504 = vector.broadcast %parallel_loop3A_503 : f32 to vector<16xf32>
      %parallel_loop3A_505 = arith.subf %parallel_loop3A_504, %parallel_loop3A_502 : vector<16xf32>
      %parallel_loop3A_506 = arith.constant 1 : i32
      %parallel_loop3A_507 = arith.constant 1 : i32
      %parallel_loop3A_508 = arith.index_cast %parallel_loop3A_506 : i32 to index
      %parallel_loop3A_509 = arith.index_cast %parallel_loop3A_368 : i32 to index
      %parallel_loop3A_510 = arith.index_cast %parallel_loop3A_507 : i32 to index
      %parallel_loop3A_511 = arith.index_cast %parallel_loop3A_386 : i32 to index
      %parallel_loop3A_512 = tpu.vector_load %arg7[%parallel_loop3A_508, %parallel_loop3A_509, %parallel_loop3A_510, %parallel_loop3A_511] {strides = array<i32>} : memref<2x79x2x128xf32, #tpu.memory_space<vmem>>, vector<16xf32>,
      tpu.vector_store %arg7[%parallel_loop3A_508, %parallel_loop3A_509, %parallel_loop3A_510, %parallel_loop3A_511], %parallel_loop3A_505 {strides = array<i32>} : memref<2x79x2x128xf32, #tpu.memory_space<vmem>>, vector<16xf32>,
    } {sc.loop_unroll_factor = 1 : i64, sc.parallel_access}
    %add3A_54 = arith.constant 0 : i32
    %add3A_55 = arith.addi %add3A_6, %add3A_54 : i32
    %dma_start3A_56 = arith.constant 0 : i32
    %dma_start3A_57 = arith.constant 0 : i32
    %dma_start3A_58 = arith.constant 0 : i32
    %dma_start3A_59 = arith.constant 0 : i32
    %dma_start3A_60 = arith.constant 0 : i32
    %dma_start3A_61 = arith.constant 0 : i32
    %dma_start3A_62 = tpu.memref_slice %arg7[%dma_start3A_56, %dma_start3A_60, %dma_start3A_57, %dma_start3A_61] <%select_n3A_50> : memref<2x79x2x128xf32, #tpu.memory_space<vmem>> -> memref<1x?x1x128xf32, #tpu.memory_space<vmem>>
    %dma_start3A_63 = tpu.memref_squeeze %dma_start3A_62 : memref<1x?x1x128xf32, #tpu.memory_space<vmem>> -> memref<?x128xf32, #tpu.memory_space<vmem>>
    %dma_start3A_64 = arith.constant 0 : i32
    %dma_start3A_65 = tpu.memref_slice %arg4[%dma_start3A_58, %add3A_55, %dma_start3A_59, %dma_start3A_64] <%select_n3A_50> : memref<2x2500x2x128xf32, #tpu.memory_space<hbm>> -> memref<1x?x1x128xf32, #tpu.memory_space<hbm>>
    %dma_start3A_66 = tpu.memref_squeeze %dma_start3A_65 : memref<1x?x1x128xf32, #tpu.memory_space<hbm>> -> memref<?x128xf32, #tpu.memory_space<hbm>>
    %dma_start3A_67 = arith.constant 0 : i32
    %dma_start3A_68 = tpu.memref_slice %arg4[%dma_start3A_58, %add3A_55, %dma_start3A_59, %dma_start3A_67] <%select_n3A_50> : memref<2x2500x2x128xf32, #tpu.memory_space<hbm>> -> memref<1x?x1x128xf32, #tpu.memory_space<hbm>>
    %dma_start3A_69 = tpu.memref_squeeze %dma_start3A_68 : memref<1x?x1x128xf32, #tpu.memory_space<hbm>> -> memref<?x128xf32, #tpu.memory_space<hbm>>
    %dma_start3A_70 = arith.constant 0 : i32
    %dma_start3A_71 = arith.constant 0 : i32
    %dma_start3A_72 = tpu.memref_slice %arg7[%dma_start3A_56, %dma_start3A_70, %dma_start3A_57, %dma_start3A_71] <%select_n3A_50> : memref<2x79x2x128xf32, #tpu.memory_space<vmem>> -> memref<1x?x1x128xf32, #tpu.memory_space<vmem>>
    %dma_start3A_73 = tpu.memref_squeeze %dma_start3A_72 : memref<1x?x1x128xf32, #tpu.memory_space<vmem>> -> memref<?x128xf32, #tpu.memory_space<vmem>>
    tpu.enqueue_dma source(%dma_start3A_73 : memref<?x128xf32, #tpu.memory_space<vmem>>) target(%dma_start3A_69 : memref<?x128xf32, #tpu.memory_space<hbm>>) target_semaphore(%arg9 : memref<!tpu.dma_semaphore, #tpu.memory_space<semaphore_mem>>)
    %add3A_74 = arith.constant 0 : i32
    %add3A_75 = arith.addi %add3A_6, %add3A_74 : i32
    %dma_start3A_76 = arith.constant 0 : i32
    %dma_start3A_77 = arith.constant 1 : i32
    %dma_start3A_78 = arith.constant 0 : i32
    %dma_start3A_79 = arith.constant 1 : i32
    %dma_start3A_80 = arith.constant 0 : i32
    %dma_start3A_81 = arith.constant 0 : i32
    %dma_start3A_82 = tpu.memref_slice %arg7[%dma_start3A_76, %dma_start3A_80, %dma_start3A_77, %dma_start3A_81] <%select_n3A_50> : memref<2x79x2x128xf32, #tpu.memory_space<vmem>> -> memref<1x?x1x128xf32, #tpu.memory_space<vmem>>
    %dma_start3A_83 = tpu.memref_squeeze %dma_start3A_82 : memref<1x?x1x128xf32, #tpu.memory_space<vmem>> -> memref<?x128xf32, #tpu.memory_space<vmem>>
    %dma_start3A_84 = arith.constant 0 : i32
    %dma_start3A_85 = tpu.memref_slice %arg4[%dma_start3A_78, %add3A_75, %dma_start3A_79, %dma_start3A_84] <%select_n3A_50> : memref<2x2500x2x128xf32, #tpu.memory_space<hbm>> -> memref<1x?x1x128xf32, #tpu.memory_space<hbm>>
    %dma_start3A_86 = tpu.memref_squeeze %dma_start3A_85 : memref<1x?x1x128xf32, #tpu.memory_space<hbm>> -> memref<?x128xf32, #tpu.memory_space<hbm>>
    %dma_start3A_87 = arith.constant 0 : i32
    %dma_start3A_88 = tpu.memref_slice %arg4[%dma_start3A_78, %add3A_75, %dma_start3A_79, %dma_start3A_87] <%select_n3A_50> : memref<2x2500x2x128xf32, #tpu.memory_space<hbm>> -> memref<1x?x1x128xf32, #tpu.memory_space<hbm>>
    %dma_start3A_89 = tpu.memref_squeeze %dma_start3A_88 : memref<1x?x1x128xf32, #tpu.memory_space<hbm>> -> memref<?x128xf32, #tpu.memory_space<hbm>>
    %dma_start3A_90 = arith.constant 0 : i32
    %dma_start3A_91 = arith.constant 0 : i32
    %dma_start3A_92 = tpu.memref_slice %arg7[%dma_start3A_76, %dma_start3A_90, %dma_start3A_77, %dma_start3A_91] <%select_n3A_50> : memref<2x79x2x128xf32, #tpu.memory_space<vmem>> -> memref<1x?x1x128xf32, #tpu.memory_space<vmem>>
    %dma_start3A_93 = tpu.memref_squeeze %dma_start3A_92 : memref<1x?x1x128xf32, #tpu.memory_space<vmem>> -> memref<?x128xf32, #tpu.memory_space<vmem>>
    tpu.enqueue_dma source(%dma_start3A_93 : memref<?x128xf32, #tpu.memory_space<vmem>>) target(%dma_start3A_89 : memref<?x128xf32, #tpu.memory_space<hbm>>) target_semaphore(%arg9 : memref<!tpu.dma_semaphore, #tpu.memory_space<semaphore_mem>>)
    %add3A_94 = arith.constant 0 : i32
    %add3A_95 = arith.addi %add3A_6, %add3A_94 : i32
    %dma_start3A_96 = arith.constant 1 : i32
    %dma_start3A_97 = arith.constant 0 : i32
    %dma_start3A_98 = arith.constant 1 : i32
    %dma_start3A_99 = arith.constant 0 : i32
    %dma_start3A_100 = arith.constant 0 : i32
    %dma_start3A_101 = arith.constant 0 : i32
    %dma_start3A_102 = tpu.memref_slice %arg7[%dma_start3A_96, %dma_start3A_100, %dma_start3A_97, %dma_start3A_101] <%select_n3A_50> : memref<2x79x2x128xf32, #tpu.memory_space<vmem>> -> memref<1x?x1x128xf32, #tpu.memory_space<vmem>>
    %dma_start3A_103 = tpu.memref_squeeze %dma_start3A_102 : memref<1x?x1x128xf32, #tpu.memory_space<vmem>> -> memref<?x128xf32, #tpu.memory_space<vmem>>
    %dma_start3A_104 = arith.constant 0 : i32
    %dma_start3A_105 = tpu.memref_slice %arg4[%dma_start3A_98, %add3A_95, %dma_start3A_99, %dma_start3A_104] <%select_n3A_50> : memref<2x2500x2x128xf32, #tpu.memory_space<hbm>> -> memref<1x?x1x128xf32, #tpu.memory_space<hbm>>
    %dma_start3A_106 = tpu.memref_squeeze %dma_start3A_105 : memref<1x?x1x128xf32, #tpu.memory_space<hbm>> -> memref<?x128xf32, #tpu.memory_space<hbm>>
    %dma_start3A_107 = arith.constant 0 : i32
    %dma_start3A_108 = tpu.memref_slice %arg4[%dma_start3A_98, %add3A_95, %dma_start3A_99, %dma_start3A_107] <%select_n3A_50> : memref<2x2500x2x128xf32, #tpu.memory_space<hbm>> -> memref<1x?x1x128xf32, #tpu.memory_space<hbm>>
    %dma_start3A_109 = tpu.memref_squeeze %dma_start3A_108 : memref<1x?x1x128xf32, #tpu.memory_space<hbm>> -> memref<?x128xf32, #tpu.memory_space<hbm>>
    %dma_start3A_110 = arith.constant 0 : i32
    %dma_start3A_111 = arith.constant 0 : i32
    %dma_start3A_112 = tpu.memref_slice %arg7[%dma_start3A_96, %dma_start3A_110, %dma_start3A_97, %dma_start3A_111] <%select_n3A_50> : memref<2x79x2x128xf32, #tpu.memory_space<vmem>> -> memref<1x?x1x128xf32, #tpu.memory_space<vmem>>
    %dma_start3A_113 = tpu.memref_squeeze %dma_start3A_112 : memref<1x?x1x128xf32, #tpu.memory_space<vmem>> -> memref<?x128xf32, #tpu.memory_space<vmem>>
    tpu.enqueue_dma source(%dma_start3A_113 : memref<?x128xf32, #tpu.memory_space<vmem>>) target(%dma_start3A_109 : memref<?x128xf32, #tpu.memory_space<hbm>>) target_semaphore(%arg9 : memref<!tpu.dma_semaphore, #tpu.memory_space<semaphore_mem>>)
    %add3A_114 = arith.constant 0 : i32
    %add3A_115 = arith.addi %add3A_6, %add3A_114 : i32
    %dma_start3A_116 = arith.constant 1 : i32
    %dma_start3A_117 = arith.constant 1 : i32
    %dma_start3A_118 = arith.constant 1 : i32
    %dma_start3A_119 = arith.constant 1 : i32
    %dma_start3A_120 = arith.constant 0 : i32
    %dma_start3A_121 = arith.constant 0 : i32
    %dma_start3A_122 = tpu.memref_slice %arg7[%dma_start3A_116, %dma_start3A_120, %dma_start3A_117, %dma_start3A_121] <%select_n3A_50> : memref<2x79x2x128xf32, #tpu.memory_space<vmem>> -> memref<1x?x1x128xf32, #tpu.memory_space<vmem>>
    %dma_start3A_123 = tpu.memref_squeeze %dma_start3A_122 : memref<1x?x1x128xf32, #tpu.memory_space<vmem>> -> memref<?x128xf32, #tpu.memory_space<vmem>>
    %dma_start3A_124 = arith.constant 0 : i32
    %dma_start3A_125 = tpu.memref_slice %arg4[%dma_start3A_118, %add3A_115, %dma_start3A_119, %dma_start3A_124] <%select_n3A_50> : memref<2x2500x2x128xf32, #tpu.memory_space<hbm>> -> memref<1x?x1x128xf32, #tpu.memory_space<hbm>>
    %dma_start3A_126 = tpu.memref_squeeze %dma_start3A_125 : memref<1x?x1x128xf32, #tpu.memory_space<hbm>> -> memref<?x128xf32, #tpu.memory_space<hbm>>
    %dma_start3A_127 = arith.constant 0 : i32
    %dma_start3A_128 = tpu.memref_slice %arg4[%dma_start3A_118, %add3A_115, %dma_start3A_119, %dma_start3A_127] <%select_n3A_50> : memref<2x2500x2x128xf32, #tpu.memory_space<hbm>> -> memref<1x?x1x128xf32, #tpu.memory_space<hbm>>
    %dma_start3A_129 = tpu.memref_squeeze %dma_start3A_128 : memref<1x?x1x128xf32, #tpu.memory_space<hbm>> -> memref<?x128xf32, #tpu.memory_space<hbm>>
    %dma_start3A_130 = arith.constant 0 : i32
    %dma_start3A_131 = arith.constant 0 : i32
    %dma_start3A_132 = tpu.memref_slice %arg7[%dma_start3A_116, %dma_start3A_130, %dma_start3A_117, %dma_start3A_131] <%select_n3A_50> : memref<2x79x2x128xf32, #tpu.memory_space<vmem>> -> memref<1x?x1x128xf32, #tpu.memory_space<vmem>>
    %dma_start3A_133 = tpu.memref_squeeze %dma_start3A_132 : memref<1x?x1x128xf32, #tpu.memory_space<vmem>> -> memref<?x128xf32, #tpu.memory_space<vmem>>
    tpu.enqueue_dma source(%dma_start3A_133 : memref<?x128xf32, #tpu.memory_space<vmem>>) target(%dma_start3A_129 : memref<?x128xf32, #tpu.memory_space<hbm>>) target_semaphore(%arg9 : memref<!tpu.dma_semaphore, #tpu.memory_space<semaphore_mem>>)
    %mul3A_134 = arith.constant 8 : i32
    %mul3A_135 = arith.muli %select_n3A_50, %mul3A_134 : i32
    %mul3A_136 = arith.constant 8 : i32
    %mul3A_137 = arith.muli %select_n3A, %mul3A_136 : i32
    %parallel_loop3A_138 = arith.constant 1 : i32
    scf.for %parallel_loop3A_344 = %mul3A_135 to %mul3A_137 step %parallel_loop3A_138  : i32 {
      %parallel_loop3A_345 = arith.constant 8 : i32
      %parallel_loop3A_346 = arith.divsi %parallel_loop3A_344, %parallel_loop3A_345 : i32
      %parallel_loop3A_347 = arith.constant 0 : i32
      %parallel_loop3A_348 = arith.cmpi sgt, %parallel_loop3A_344, %parallel_loop3A_347 : i32
      %parallel_loop3A_349 = arith.extui %parallel_loop3A_348 : i1 to i32
      %parallel_loop3A_350 = arith.constant 0 : i32
      %parallel_loop3A_351 = arith.cmpi slt, %parallel_loop3A_344, %parallel_loop3A_350 : i32
      %parallel_loop3A_352 = arith.extui %parallel_loop3A_351 : i1 to i32
      %parallel_loop3A_353 = arith.subi %parallel_loop3A_349, %parallel_loop3A_352 : i32
      %parallel_loop3A_354 = arith.constant 0 : i32
      %parallel_loop3A_355 = arith.cmpi sgt, %parallel_loop3A_345, %parallel_loop3A_354 : i32
      %parallel_loop3A_356 = arith.extui %parallel_loop3A_355 : i1 to i32
      %parallel_loop3A_357 = arith.constant 0 : i32
      %parallel_loop3A_358 = arith.cmpi slt, %parallel_loop3A_345, %parallel_loop3A_357 : i32
      %parallel_loop3A_359 = arith.extui %parallel_loop3A_358 : i1 to i32
      %parallel_loop3A_360 = arith.subi %parallel_loop3A_356, %parallel_loop3A_359 : i32
      %parallel_loop3A_361 = arith.cmpi ne, %parallel_loop3A_353, %parallel_loop3A_360 : i32
      %parallel_loop3A_362 = arith.remsi %parallel_loop3A_344, %parallel_loop3A_345 : i32
      %parallel_loop3A_363 = arith.constant 0 : i32
      %parallel_loop3A_364 = arith.cmpi ne, %parallel_loop3A_362, %parallel_loop3A_363 : i32
      %parallel_loop3A_365 = arith.andi %parallel_loop3A_361, %parallel_loop3A_364 : i1
      %parallel_loop3A_366 = arith.constant 1 : i32
      %parallel_loop3A_367 = arith.subi %parallel_loop3A_346, %parallel_loop3A_366 : i32
      %parallel_loop3A_368 = arith.select %parallel_loop3A_365, %parallel_loop3A_367, %parallel_loop3A_346 : i32
      %parallel_loop3A_369 = arith.constant 8 : i32
      %parallel_loop3A_370 = arith.constant 0 : i32
      %parallel_loop3A_371 = arith.cmpi eq, %parallel_loop3A_369, %parallel_loop3A_370 : i32
      %parallel_loop3A_372 = arith.constant 1 : i32
      %parallel_loop3A_373 = arith.select %parallel_loop3A_371, %parallel_loop3A_372, %parallel_loop3A_369 : i32
      %parallel_loop3A_374 = arith.remsi %parallel_loop3A_344, %parallel_loop3A_373 : i32
      %parallel_loop3A_375 = arith.constant 0 : i32
      %parallel_loop3A_376 = arith.cmpi ne, %parallel_loop3A_374, %parallel_loop3A_375 : i32
      %parallel_loop3A_377 = arith.constant 0 : i32
      %parallel_loop3A_378 = arith.cmpi slt, %parallel_loop3A_374, %parallel_loop3A_377 : i32
      %parallel_loop3A_379 = arith.constant 0 : i32
      %parallel_loop3A_380 = arith.cmpi slt, %parallel_loop3A_373, %parallel_loop3A_379 : i32
      %parallel_loop3A_381 = arith.xori %parallel_loop3A_378, %parallel_loop3A_380 : i1
      %parallel_loop3A_382 = arith.andi %parallel_loop3A_381, %parallel_loop3A_376 : i1
      %parallel_loop3A_383 = arith.addi %parallel_loop3A_374, %parallel_loop3A_373 : i32
      %parallel_loop3A_384 = arith.select %parallel_loop3A_382, %parallel_loop3A_383, %parallel_loop3A_374 : i32
      %parallel_loop3A_385 = arith.constant 16 : i32
      %parallel_loop3A_386 = arith.muli %parallel_loop3A_384, %parallel_loop3A_385 : i32
      %parallel_loop3A_387 = arith.constant 0 : i32
      %parallel_loop3A_388 = arith.index_cast %parallel_loop3A_368 : i32 to index
      %parallel_loop3A_389 = arith.index_cast %parallel_loop3A_387 : i32 to index
      %parallel_loop3A_390 = arith.index_cast %parallel_loop3A_386 : i32 to index
      %parallel_loop3A_391 = tpu.vector_load %arg6[%parallel_loop3A_388, %parallel_loop3A_389, %parallel_loop3A_390] {strides = array<i32>} : memref<79x2x128xi32, #tpu.memory_space<vmem>>, vector<16xi32>,
      %parallel_loop3A_392 = arith.constant 1 : i32
      %parallel_loop3A_393 = arith.index_cast %parallel_loop3A_368 : i32 to index
      %parallel_loop3A_394 = arith.index_cast %parallel_loop3A_392 : i32 to index
      %parallel_loop3A_395 = arith.index_cast %parallel_loop3A_386 : i32 to index
      %parallel_loop3A_396 = tpu.vector_load %arg6[%parallel_loop3A_393, %parallel_loop3A_394, %parallel_loop3A_395] {strides = array<i32>} : memref<79x2x128xi32, #tpu.memory_space<vmem>>, vector<16xi32>,
      %parallel_loop3A_397 = arith.constant 0 : i32
      %parallel_loop3A_398 = vector.broadcast %parallel_loop3A_397 : i32 to vector<16xi32>
      %parallel_loop3A_399 = arith.addi %parallel_loop3A_391, %parallel_loop3A_398 : vector<16xi32>
      %parallel_loop3A_400 = tpu.vector_load_idx %arg5[%parallel_loop3A_399] : memref<40000xf32, #tpu.memory_space<vmem>>[vector<16xi32>], vector<16xf32>,
      %parallel_loop3A_401 = arith.constant 0 : i32
      %parallel_loop3A_402 = vector.broadcast %parallel_loop3A_401 : i32 to vector<16xi32>
      %parallel_loop3A_403 = arith.addi %parallel_loop3A_396, %parallel_loop3A_402 : vector<16xi32>
      %parallel_loop3A_404 = tpu.vector_load_idx %arg5[%parallel_loop3A_403] : memref<40000xf32, #tpu.memory_space<vmem>>[vector<16xi32>], vector<16xf32>,
      %parallel_loop3A_405 = arith.addf %parallel_loop3A_400, %parallel_loop3A_404 : vector<16xf32>
      %parallel_loop3A_406 = arith.constant 2.000000e+00 : f32
      %parallel_loop3A_407 = vector.broadcast %parallel_loop3A_406 : f32 to vector<16xf32>
      %parallel_loop3A_408 = arith.mulf %parallel_loop3A_405, %parallel_loop3A_407 : vector<16xf32>
      %parallel_loop3A_409 = math.exp %parallel_loop3A_408 : vector<16xf32>
      %parallel_loop3A_410 = arith.constant 1.000000e+00 : f32
      %parallel_loop3A_411 = vector.broadcast %parallel_loop3A_410 : f32 to vector<16xf32>
      %parallel_loop3A_412 = arith.addf %parallel_loop3A_409, %parallel_loop3A_411 : vector<16xf32>
      %parallel_loop3A_413 = arith.constant 2.000000e+00 : f32
      %parallel_loop3A_414 = vector.broadcast %parallel_loop3A_413 : f32 to vector<16xf32>
      %parallel_loop3A_415 = arith.divf %parallel_loop3A_414, %parallel_loop3A_412 : vector<16xf32>
      %parallel_loop3A_416 = arith.constant 1.000000e+00 : f32
      %parallel_loop3A_417 = vector.broadcast %parallel_loop3A_416 : f32 to vector<16xf32>
      %parallel_loop3A_418 = arith.subf %parallel_loop3A_417, %parallel_loop3A_415 : vector<16xf32>
      %parallel_loop3A_419 = arith.constant 0 : i32
      %parallel_loop3A_420 = arith.constant 0 : i32
      %parallel_loop3A_421 = arith.index_cast %parallel_loop3A_419 : i32 to index
      %parallel_loop3A_422 = arith.index_cast %parallel_loop3A_368 : i32 to index
      %parallel_loop3A_423 = arith.index_cast %parallel_loop3A_420 : i32 to index
      %parallel_loop3A_424 = arith.index_cast %parallel_loop3A_386 : i32 to index
      %parallel_loop3A_425 = tpu.vector_load %arg7[%parallel_loop3A_421, %parallel_loop3A_422, %parallel_loop3A_423, %parallel_loop3A_424] {strides = array<i32>} : memref<2x79x2x128xf32, #tpu.memory_space<vmem>>, vector<16xf32>,
      tpu.vector_store %arg7[%parallel_loop3A_421, %parallel_loop3A_422, %parallel_loop3A_423, %parallel_loop3A_424], %parallel_loop3A_418 {strides = array<i32>} : memref<2x79x2x128xf32, #tpu.memory_space<vmem>>, vector<16xf32>,
      %parallel_loop3A_426 = arith.constant 10000 : i32
      %parallel_loop3A_427 = vector.broadcast %parallel_loop3A_426 : i32 to vector<16xi32>
      %parallel_loop3A_428 = arith.addi %parallel_loop3A_391, %parallel_loop3A_427 : vector<16xi32>
      %parallel_loop3A_429 = tpu.vector_load_idx %arg5[%parallel_loop3A_428] : memref<40000xf32, #tpu.memory_space<vmem>>[vector<16xi32>], vector<16xf32>,
      %parallel_loop3A_430 = arith.constant 10000 : i32
      %parallel_loop3A_431 = vector.broadcast %parallel_loop3A_430 : i32 to vector<16xi32>
      %parallel_loop3A_432 = arith.addi %parallel_loop3A_396, %parallel_loop3A_431 : vector<16xi32>
      %parallel_loop3A_433 = tpu.vector_load_idx %arg5[%parallel_loop3A_432] : memref<40000xf32, #tpu.memory_space<vmem>>[vector<16xi32>], vector<16xf32>,
      %parallel_loop3A_434 = arith.addf %parallel_loop3A_429, %parallel_loop3A_433 : vector<16xf32>
      %parallel_loop3A_435 = arith.constant 2.000000e+00 : f32
      %parallel_loop3A_436 = vector.broadcast %parallel_loop3A_435 : f32 to vector<16xf32>
      %parallel_loop3A_437 = arith.mulf %parallel_loop3A_434, %parallel_loop3A_436 : vector<16xf32>
      %parallel_loop3A_438 = math.exp %parallel_loop3A_437 : vector<16xf32>
      %parallel_loop3A_439 = arith.constant 1.000000e+00 : f32
      %parallel_loop3A_440 = vector.broadcast %parallel_loop3A_439 : f32 to vector<16xf32>
      %parallel_loop3A_441 = arith.addf %parallel_loop3A_438, %parallel_loop3A_440 : vector<16xf32>
      %parallel_loop3A_442 = arith.constant 2.000000e+00 : f32
      %parallel_loop3A_443 = vector.broadcast %parallel_loop3A_442 : f32 to vector<16xf32>
      %parallel_loop3A_444 = arith.divf %parallel_loop3A_443, %parallel_loop3A_441 : vector<16xf32>
      %parallel_loop3A_445 = arith.constant 1.000000e+00 : f32
      %parallel_loop3A_446 = vector.broadcast %parallel_loop3A_445 : f32 to vector<16xf32>
      %parallel_loop3A_447 = arith.subf %parallel_loop3A_446, %parallel_loop3A_444 : vector<16xf32>
      %parallel_loop3A_448 = arith.constant 0 : i32
      %parallel_loop3A_449 = arith.constant 1 : i32
      %parallel_loop3A_450 = arith.index_cast %parallel_loop3A_448 : i32 to index
      %parallel_loop3A_451 = arith.index_cast %parallel_loop3A_368 : i32 to index
      %parallel_loop3A_452 = arith.index_cast %parallel_loop3A_449 : i32 to index
      %parallel_loop3A_453 = arith.index_cast %parallel_loop3A_386 : i32 to index
      %parallel_loop3A_454 = tpu.vector_load %arg7[%parallel_loop3A_450, %parallel_loop3A_451, %parallel_loop3A_452, %parallel_loop3A_453] {strides = array<i32>} : memref<2x79x2x128xf32, #tpu.memory_space<vmem>>, vector<16xf32>,
      tpu.vector_store %arg7[%parallel_loop3A_450, %parallel_loop3A_451, %parallel_loop3A_452, %parallel_loop3A_453], %parallel_loop3A_447 {strides = array<i32>} : memref<2x79x2x128xf32, #tpu.memory_space<vmem>>, vector<16xf32>,
      %parallel_loop3A_455 = arith.constant 20000 : i32
      %parallel_loop3A_456 = vector.broadcast %parallel_loop3A_455 : i32 to vector<16xi32>
      %parallel_loop3A_457 = arith.addi %parallel_loop3A_391, %parallel_loop3A_456 : vector<16xi32>
      %parallel_loop3A_458 = tpu.vector_load_idx %arg5[%parallel_loop3A_457] : memref<40000xf32, #tpu.memory_space<vmem>>[vector<16xi32>], vector<16xf32>,
      %parallel_loop3A_459 = arith.constant 20000 : i32
      %parallel_loop3A_460 = vector.broadcast %parallel_loop3A_459 : i32 to vector<16xi32>
      %parallel_loop3A_461 = arith.addi %parallel_loop3A_396, %parallel_loop3A_460 : vector<16xi32>
      %parallel_loop3A_462 = tpu.vector_load_idx %arg5[%parallel_loop3A_461] : memref<40000xf32, #tpu.memory_space<vmem>>[vector<16xi32>], vector<16xf32>,
      %parallel_loop3A_463 = arith.addf %parallel_loop3A_458, %parallel_loop3A_462 : vector<16xf32>
      %parallel_loop3A_464 = arith.constant 2.000000e+00 : f32
      %parallel_loop3A_465 = vector.broadcast %parallel_loop3A_464 : f32 to vector<16xf32>
      %parallel_loop3A_466 = arith.mulf %parallel_loop3A_463, %parallel_loop3A_465 : vector<16xf32>
      %parallel_loop3A_467 = math.exp %parallel_loop3A_466 : vector<16xf32>
      %parallel_loop3A_468 = arith.constant 1.000000e+00 : f32
      %parallel_loop3A_469 = vector.broadcast %parallel_loop3A_468 : f32 to vector<16xf32>
      %parallel_loop3A_470 = arith.addf %parallel_loop3A_467, %parallel_loop3A_469 : vector<16xf32>
      %parallel_loop3A_471 = arith.constant 2.000000e+00 : f32
      %parallel_loop3A_472 = vector.broadcast %parallel_loop3A_471 : f32 to vector<16xf32>
      %parallel_loop3A_473 = arith.divf %parallel_loop3A_472, %parallel_loop3A_470 : vector<16xf32>
      %parallel_loop3A_474 = arith.constant 1.000000e+00 : f32
      %parallel_loop3A_475 = vector.broadcast %parallel_loop3A_474 : f32 to vector<16xf32>
      %parallel_loop3A_476 = arith.subf %parallel_loop3A_475, %parallel_loop3A_473 : vector<16xf32>
      %parallel_loop3A_477 = arith.constant 1 : i32
      %parallel_loop3A_478 = arith.constant 0 : i32
      %parallel_loop3A_479 = arith.index_cast %parallel_loop3A_477 : i32 to index
      %parallel_loop3A_480 = arith.index_cast %parallel_loop3A_368 : i32 to index
      %parallel_loop3A_481 = arith.index_cast %parallel_loop3A_478 : i32 to index
      %parallel_loop3A_482 = arith.index_cast %parallel_loop3A_386 : i32 to index
      %parallel_loop3A_483 = tpu.vector_load %arg7[%parallel_loop3A_479, %parallel_loop3A_480, %parallel_loop3A_481, %parallel_loop3A_482] {strides = array<i32>} : memref<2x79x2x128xf32, #tpu.memory_space<vmem>>, vector<16xf32>,
      tpu.vector_store %arg7[%parallel_loop3A_479, %parallel_loop3A_480, %parallel_loop3A_481, %parallel_loop3A_482], %parallel_loop3A_476 {strides = array<i32>} : memref<2x79x2x128xf32, #tpu.memory_space<vmem>>, vector<16xf32>,
      %parallel_loop3A_484 = arith.constant 30000 : i32
      %parallel_loop3A_485 = vector.broadcast %parallel_loop3A_484 : i32 to vector<16xi32>
      %parallel_loop3A_486 = arith.addi %parallel_loop3A_391, %parallel_loop3A_485 : vector<16xi32>
      %parallel_loop3A_487 = tpu.vector_load_idx %arg5[%parallel_loop3A_486] : memref<40000xf32, #tpu.memory_space<vmem>>[vector<16xi32>], vector<16xf32>,
      %parallel_loop3A_488 = arith.constant 30000 : i32
      %parallel_loop3A_489 = vector.broadcast %parallel_loop3A_488 : i32 to vector<16xi32>
      %parallel_loop3A_490 = arith.addi %parallel_loop3A_396, %parallel_loop3A_489 : vector<16xi32>
      %parallel_loop3A_491 = tpu.vector_load_idx %arg5[%parallel_loop3A_490] : memref<40000xf32, #tpu.memory_space<vmem>>[vector<16xi32>], vector<16xf32>,
      %parallel_loop3A_492 = arith.addf %parallel_loop3A_487, %parallel_loop3A_491 : vector<16xf32>
      %parallel_loop3A_493 = arith.constant 2.000000e+00 : f32
      %parallel_loop3A_494 = vector.broadcast %parallel_loop3A_493 : f32 to vector<16xf32>
      %parallel_loop3A_495 = arith.mulf %parallel_loop3A_492, %parallel_loop3A_494 : vector<16xf32>
      %parallel_loop3A_496 = math.exp %parallel_loop3A_495 : vector<16xf32>
      %parallel_loop3A_497 = arith.constant 1.000000e+00 : f32
      %parallel_loop3A_498 = vector.broadcast %parallel_loop3A_497 : f32 to vector<16xf32>
      %parallel_loop3A_499 = arith.addf %parallel_loop3A_496, %parallel_loop3A_498 : vector<16xf32>
      %parallel_loop3A_500 = arith.constant 2.000000e+00 : f32
      %parallel_loop3A_501 = vector.broadcast %parallel_loop3A_500 : f32 to vector<16xf32>
      %parallel_loop3A_502 = arith.divf %parallel_loop3A_501, %parallel_loop3A_499 : vector<16xf32>
      %parallel_loop3A_503 = arith.constant 1.000000e+00 : f32
      %parallel_loop3A_504 = vector.broadcast %parallel_loop3A_503 : f32 to vector<16xf32>
      %parallel_loop3A_505 = arith.subf %parallel_loop3A_504, %parallel_loop3A_502 : vector<16xf32>
      %parallel_loop3A_506 = arith.constant 1 : i32
      %parallel_loop3A_507 = arith.constant 1 : i32
      %parallel_loop3A_508 = arith.index_cast %parallel_loop3A_506 : i32 to index
      %parallel_loop3A_509 = arith.index_cast %parallel_loop3A_368 : i32 to index
      %parallel_loop3A_510 = arith.index_cast %parallel_loop3A_507 : i32 to index
      %parallel_loop3A_511 = arith.index_cast %parallel_loop3A_386 : i32 to index
      %parallel_loop3A_512 = tpu.vector_load %arg7[%parallel_loop3A_508, %parallel_loop3A_509, %parallel_loop3A_510, %parallel_loop3A_511] {strides = array<i32>} : memref<2x79x2x128xf32, #tpu.memory_space<vmem>>, vector<16xf32>,
      tpu.vector_store %arg7[%parallel_loop3A_508, %parallel_loop3A_509, %parallel_loop3A_510, %parallel_loop3A_511], %parallel_loop3A_505 {strides = array<i32>} : memref<2x79x2x128xf32, #tpu.memory_space<vmem>>, vector<16xf32>,
    } {sc.loop_unroll_factor = 1 : i64, sc.parallel_access}
    %sub3A_139 = arith.subi %select_n3A, %select_n3A_50 : i32
    %add3A_140 = arith.addi %add3A_6, %select_n3A_50 : i32
    %dma_start3A_141 = arith.constant 0 : i32
    %dma_start3A_142 = arith.constant 0 : i32
    %dma_start3A_143 = arith.constant 0 : i32
    %dma_start3A_144 = arith.constant 0 : i32
    %dma_start3A_145 = arith.constant 0 : i32
    %dma_start3A_146 = tpu.memref_slice %arg7[%dma_start3A_141, %select_n3A_50, %dma_start3A_142, %dma_start3A_145] <%sub3A_139> : memref<2x79x2x128xf32, #tpu.memory_space<vmem>> -> memref<1x?x1x128xf32, #tpu.memory_space<vmem>>
    %dma_start3A_147 = tpu.memref_squeeze %dma_start3A_146 : memref<1x?x1x128xf32, #tpu.memory_space<vmem>> -> memref<?x128xf32, #tpu.memory_space<vmem>>
    %dma_start3A_148 = arith.constant 0 : i32
    %dma_start3A_149 = tpu.memref_slice %arg4[%dma_start3A_143, %add3A_140, %dma_start3A_144, %dma_start3A_148] <%sub3A_139> : memref<2x2500x2x128xf32, #tpu.memory_space<hbm>> -> memref<1x?x1x128xf32, #tpu.memory_space<hbm>>
    %dma_start3A_150 = tpu.memref_squeeze %dma_start3A_149 : memref<1x?x1x128xf32, #tpu.memory_space<hbm>> -> memref<?x128xf32, #tpu.memory_space<hbm>>
    %dma_start3A_151 = arith.constant 0 : i32
    %dma_start3A_152 = tpu.memref_slice %arg4[%dma_start3A_143, %add3A_140, %dma_start3A_144, %dma_start3A_151] <%sub3A_139> : memref<2x2500x2x128xf32, #tpu.memory_space<hbm>> -> memref<1x?x1x128xf32, #tpu.memory_space<hbm>>
    %dma_start3A_153 = tpu.memref_squeeze %dma_start3A_152 : memref<1x?x1x128xf32, #tpu.memory_space<hbm>> -> memref<?x128xf32, #tpu.memory_space<hbm>>
    %dma_start3A_154 = arith.constant 0 : i32
    %dma_start3A_155 = tpu.memref_slice %arg7[%dma_start3A_141, %select_n3A_50, %dma_start3A_142, %dma_start3A_154] <%sub3A_139> : memref<2x79x2x128xf32, #tpu.memory_space<vmem>> -> memref<1x?x1x128xf32, #tpu.memory_space<vmem>>
    %dma_start3A_156 = tpu.memref_squeeze %dma_start3A_155 : memref<1x?x1x128xf32, #tpu.memory_space<vmem>> -> memref<?x128xf32, #tpu.memory_space<vmem>>
    tpu.enqueue_dma source(%dma_start3A_156 : memref<?x128xf32, #tpu.memory_space<vmem>>) target(%dma_start3A_153 : memref<?x128xf32, #tpu.memory_space<hbm>>) target_semaphore(%arg9 : memref<!tpu.dma_semaphore, #tpu.memory_space<semaphore_mem>>)
    %add3A_157 = arith.addi %add3A_6, %select_n3A_50 : i32
    %dma_start3A_158 = arith.constant 0 : i32
    %dma_start3A_159 = arith.constant 1 : i32
    %dma_start3A_160 = arith.constant 0 : i32
    %dma_start3A_161 = arith.constant 1 : i32
    %dma_start3A_162 = arith.constant 0 : i32
    %dma_start3A_163 = tpu.memref_slice %arg7[%dma_start3A_158, %select_n3A_50, %dma_start3A_159, %dma_start3A_162] <%sub3A_139> : memref<2x79x2x128xf32, #tpu.memory_space<vmem>> -> memref<1x?x1x128xf32, #tpu.memory_space<vmem>>
    %dma_start3A_164 = tpu.memref_squeeze %dma_start3A_163 : memref<1x?x1x128xf32, #tpu.memory_space<vmem>> -> memref<?x128xf32, #tpu.memory_space<vmem>>
    %dma_start3A_165 = arith.constant 0 : i32
    %dma_start3A_166 = tpu.memref_slice %arg4[%dma_start3A_160, %add3A_157, %dma_start3A_161, %dma_start3A_165] <%sub3A_139> : memref<2x2500x2x128xf32, #tpu.memory_space<hbm>> -> memref<1x?x1x128xf32, #tpu.memory_space<hbm>>
    %dma_start3A_167 = tpu.memref_squeeze %dma_start3A_166 : memref<1x?x1x128xf32, #tpu.memory_space<hbm>> -> memref<?x128xf32, #tpu.memory_space<hbm>>
    %dma_start3A_168 = arith.constant 0 : i32
    %dma_start3A_169 = tpu.memref_slice %arg4[%dma_start3A_160, %add3A_157, %dma_start3A_161, %dma_start3A_168] <%sub3A_139> : memref<2x2500x2x128xf32, #tpu.memory_space<hbm>> -> memref<1x?x1x128xf32, #tpu.memory_space<hbm>>
    %dma_start3A_170 = tpu.memref_squeeze %dma_start3A_169 : memref<1x?x1x128xf32, #tpu.memory_space<hbm>> -> memref<?x128xf32, #tpu.memory_space<hbm>>
    %dma_start3A_171 = arith.constant 0 : i32
    %dma_start3A_172 = tpu.memref_slice %arg7[%dma_start3A_158, %select_n3A_50, %dma_start3A_159, %dma_start3A_171] <%sub3A_139> : memref<2x79x2x128xf32, #tpu.memory_space<vmem>> -> memref<1x?x1x128xf32, #tpu.memory_space<vmem>>
    %dma_start3A_173 = tpu.memref_squeeze %dma_start3A_172 : memref<1x?x1x128xf32, #tpu.memory_space<vmem>> -> memref<?x128xf32, #tpu.memory_space<vmem>>
    tpu.enqueue_dma source(%dma_start3A_173 : memref<?x128xf32, #tpu.memory_space<vmem>>) target(%dma_start3A_170 : memref<?x128xf32, #tpu.memory_space<hbm>>) target_semaphore(%arg9 : memref<!tpu.dma_semaphore, #tpu.memory_space<semaphore_mem>>)
    %add3A_174 = arith.addi %add3A_6, %select_n3A_50 : i32
    %dma_start3A_175 = arith.constant 1 : i32
    %dma_start3A_176 = arith.constant 0 : i32
    %dma_start3A_177 = arith.constant 1 : i32
    %dma_start3A_178 = arith.constant 0 : i32
    %dma_start3A_179 = arith.constant 0 : i32
    %dma_start3A_180 = tpu.memref_slice %arg7[%dma_start3A_175, %select_n3A_50, %dma_start3A_176, %dma_start3A_179] <%sub3A_139> : memref<2x79x2x128xf32, #tpu.memory_space<vmem>> -> memref<1x?x1x128xf32, #tpu.memory_space<vmem>>
    %dma_start3A_181 = tpu.memref_squeeze %dma_start3A_180 : memref<1x?x1x128xf32, #tpu.memory_space<vmem>> -> memref<?x128xf32, #tpu.memory_space<vmem>>
    %dma_start3A_182 = arith.constant 0 : i32
    %dma_start3A_183 = tpu.memref_slice %arg4[%dma_start3A_177, %add3A_174, %dma_start3A_178, %dma_start3A_182] <%sub3A_139> : memref<2x2500x2x128xf32, #tpu.memory_space<hbm>> -> memref<1x?x1x128xf32, #tpu.memory_space<hbm>>
    %dma_start3A_184 = tpu.memref_squeeze %dma_start3A_183 : memref<1x?x1x128xf32, #tpu.memory_space<hbm>> -> memref<?x128xf32, #tpu.memory_space<hbm>>
    %dma_start3A_185 = arith.constant 0 : i32
    %dma_start3A_186 = tpu.memref_slice %arg4[%dma_start3A_177, %add3A_174, %dma_start3A_178, %dma_start3A_185] <%sub3A_139> : memref<2x2500x2x128xf32, #tpu.memory_space<hbm>> -> memref<1x?x1x128xf32, #tpu.memory_space<hbm>>
    %dma_start3A_187 = tpu.memref_squeeze %dma_start3A_186 : memref<1x?x1x128xf32, #tpu.memory_space<hbm>> -> memref<?x128xf32, #tpu.memory_space<hbm>>
    %dma_start3A_188 = arith.constant 0 : i32
    %dma_start3A_189 = tpu.memref_slice %arg7[%dma_start3A_175, %select_n3A_50, %dma_start3A_176, %dma_start3A_188] <%sub3A_139> : memref<2x79x2x128xf32, #tpu.memory_space<vmem>> -> memref<1x?x1x128xf32, #tpu.memory_space<vmem>>
    %dma_start3A_190 = tpu.memref_squeeze %dma_start3A_189 : memref<1x?x1x128xf32, #tpu.memory_space<vmem>> -> memref<?x128xf32, #tpu.memory_space<vmem>>
    tpu.enqueue_dma source(%dma_start3A_190 : memref<?x128xf32, #tpu.memory_space<vmem>>) target(%dma_start3A_187 : memref<?x128xf32, #tpu.memory_space<hbm>>) target_semaphore(%arg9 : memref<!tpu.dma_semaphore, #tpu.memory_space<semaphore_mem>>)
    %add3A_191 = arith.addi %add3A_6, %select_n3A_50 : i32
    %dma_start3A_192 = arith.constant 1 : i32
    %dma_start3A_193 = arith.constant 1 : i32
    %dma_start3A_194 = arith.constant 1 : i32
    %dma_start3A_195 = arith.constant 1 : i32
    %dma_start3A_196 = arith.constant 0 : i32
    %dma_start3A_197 = tpu.memref_slice %arg7[%dma_start3A_192, %select_n3A_50, %dma_start3A_193, %dma_start3A_196] <%sub3A_139> : memref<2x79x2x128xf32, #tpu.memory_space<vmem>> -> memref<1x?x1x128xf32, #tpu.memory_space<vmem>>
    %dma_start3A_198 = tpu.memref_squeeze %dma_start3A_197 : memref<1x?x1x128xf32, #tpu.memory_space<vmem>> -> memref<?x128xf32, #tpu.memory_space<vmem>>
    %dma_start3A_199 = arith.constant 0 : i32
    %dma_start3A_200 = tpu.memref_slice %arg4[%dma_start3A_194, %add3A_191, %dma_start3A_195, %dma_start3A_199] <%sub3A_139> : memref<2x2500x2x128xf32, #tpu.memory_space<hbm>> -> memref<1x?x1x128xf32, #tpu.memory_space<hbm>>
    %dma_start3A_201 = tpu.memref_squeeze %dma_start3A_200 : memref<1x?x1x128xf32, #tpu.memory_space<hbm>> -> memref<?x128xf32, #tpu.memory_space<hbm>>
    %dma_start3A_202 = arith.constant 0 : i32
    %dma_start3A_203 = tpu.memref_slice %arg4[%dma_start3A_194, %add3A_191, %dma_start3A_195, %dma_start3A_202] <%sub3A_139> : memref<2x2500x2x128xf32, #tpu.memory_space<hbm>> -> memref<1x?x1x128xf32, #tpu.memory_space<hbm>>
    %dma_start3A_204 = tpu.memref_squeeze %dma_start3A_203 : memref<1x?x1x128xf32, #tpu.memory_space<hbm>> -> memref<?x128xf32, #tpu.memory_space<hbm>>
    %dma_start3A_205 = arith.constant 0 : i32
    %dma_start3A_206 = tpu.memref_slice %arg7[%dma_start3A_192, %select_n3A_50, %dma_start3A_193, %dma_start3A_205] <%sub3A_139> : memref<2x79x2x128xf32, #tpu.memory_space<vmem>> -> memref<1x?x1x128xf32, #tpu.memory_space<vmem>>
    %dma_start3A_207 = tpu.memref_squeeze %dma_start3A_206 : memref<1x?x1x128xf32, #tpu.memory_space<vmem>> -> memref<?x128xf32, #tpu.memory_space<vmem>>
    tpu.enqueue_dma source(%dma_start3A_207 : memref<?x128xf32, #tpu.memory_space<vmem>>) target(%dma_start3A_204 : memref<?x128xf32, #tpu.memory_space<hbm>>) target_semaphore(%arg9 : memref<!tpu.dma_semaphore, #tpu.memory_space<semaphore_mem>>)
    %dma_wait3A_208 = arith.constant 0 : i32
    %dma_wait3A_209 = arith.constant 0 : i32
    %dma_wait3A_210 = arith.constant 0 : i32
    %dma_wait3A_211 = arith.constant 0 : i32
    %dma_wait3A_212 = arith.constant 0 : i32
    %dma_wait3A_213 = arith.constant 0 : i32
    %dma_wait3A_214 = tpu.memref_slice %arg7[%dma_wait3A_208, %dma_wait3A_212, %dma_wait3A_209, %dma_wait3A_213] <%select_n3A_50> : memref<2x79x2x128xf32, #tpu.memory_space<vmem>> -> memref<1x?x1x128xf32, #tpu.memory_space<vmem>>
    %dma_wait3A_215 = tpu.memref_squeeze %dma_wait3A_214 : memref<1x?x1x128xf32, #tpu.memory_space<vmem>> -> memref<?x128xf32, #tpu.memory_space<vmem>>
    %dma_wait3A_216 = arith.constant 0 : i32
    %dma_wait3A_217 = tpu.memref_slice %arg4[%dma_wait3A_210, %add3A_55, %dma_wait3A_211, %dma_wait3A_216] <%select_n3A_50> : memref<2x2500x2x128xf32, #tpu.memory_space<hbm>> -> memref<1x?x1x128xf32, #tpu.memory_space<hbm>>
    %dma_wait3A_218 = tpu.memref_squeeze %dma_wait3A_217 : memref<1x?x1x128xf32, #tpu.memory_space<hbm>> -> memref<?x128xf32, #tpu.memory_space<hbm>>
    %dma_wait3A_219 = arith.constant 0 : i32
    %dma_wait3A_220 = tpu.memref_slice %arg4[%dma_wait3A_210, %add3A_55, %dma_wait3A_211, %dma_wait3A_219] <%select_n3A_50> : memref<2x2500x2x128xf32, #tpu.memory_space<hbm>> -> memref<1x?x1x128xf32, #tpu.memory_space<hbm>>
    %dma_wait3A_221 = tpu.memref_squeeze %dma_wait3A_220 : memref<1x?x1x128xf32, #tpu.memory_space<hbm>> -> memref<?x128xf32, #tpu.memory_space<hbm>>
    %dma_wait3A_222 = arith.constant 0 : i32
    %dma_wait3A_223 = arith.constant 0 : i32
    %dma_wait3A_224 = tpu.memref_slice %arg7[%dma_wait3A_208, %dma_wait3A_222, %dma_wait3A_209, %dma_wait3A_223] <%select_n3A_50> : memref<2x79x2x128xf32, #tpu.memory_space<vmem>> -> memref<1x?x1x128xf32, #tpu.memory_space<vmem>>
    %dma_wait3A_225 = tpu.memref_squeeze %dma_wait3A_224 : memref<1x?x1x128xf32, #tpu.memory_space<vmem>> -> memref<?x128xf32, #tpu.memory_space<vmem>>
    tpu.wait_dma2 semaphore(%arg9 : memref<!tpu.dma_semaphore, #tpu.memory_space<semaphore_mem>>) src(%dma_wait3A_225 : memref<?x128xf32, #tpu.memory_space<vmem>>) dst(%dma_wait3A_221 : memref<?x128xf32, #tpu.memory_space<hbm>>)
    %dma_wait3A_226 = arith.constant 0 : i32
    %dma_wait3A_227 = arith.constant 1 : i32
    %dma_wait3A_228 = arith.constant 0 : i32
    %dma_wait3A_229 = arith.constant 1 : i32
    %dma_wait3A_230 = arith.constant 0 : i32
    %dma_wait3A_231 = arith.constant 0 : i32
    %dma_wait3A_232 = tpu.memref_slice %arg7[%dma_wait3A_226, %dma_wait3A_230, %dma_wait3A_227, %dma_wait3A_231] <%select_n3A_50> : memref<2x79x2x128xf32, #tpu.memory_space<vmem>> -> memref<1x?x1x128xf32, #tpu.memory_space<vmem>>
    %dma_wait3A_233 = tpu.memref_squeeze %dma_wait3A_232 : memref<1x?x1x128xf32, #tpu.memory_space<vmem>> -> memref<?x128xf32, #tpu.memory_space<vmem>>
    %dma_wait3A_234 = arith.constant 0 : i32
    %dma_wait3A_235 = tpu.memref_slice %arg4[%dma_wait3A_228, %add3A_75, %dma_wait3A_229, %dma_wait3A_234] <%select_n3A_50> : memref<2x2500x2x128xf32, #tpu.memory_space<hbm>> -> memref<1x?x1x128xf32, #tpu.memory_space<hbm>>
    %dma_wait3A_236 = tpu.memref_squeeze %dma_wait3A_235 : memref<1x?x1x128xf32, #tpu.memory_space<hbm>> -> memref<?x128xf32, #tpu.memory_space<hbm>>
    %dma_wait3A_237 = arith.constant 0 : i32
    %dma_wait3A_238 = tpu.memref_slice %arg4[%dma_wait3A_228, %add3A_75, %dma_wait3A_229, %dma_wait3A_237] <%select_n3A_50> : memref<2x2500x2x128xf32, #tpu.memory_space<hbm>> -> memref<1x?x1x128xf32, #tpu.memory_space<hbm>>
    %dma_wait3A_239 = tpu.memref_squeeze %dma_wait3A_238 : memref<1x?x1x128xf32, #tpu.memory_space<hbm>> -> memref<?x128xf32, #tpu.memory_space<hbm>>
    %dma_wait3A_240 = arith.constant 0 : i32
    %dma_wait3A_241 = arith.constant 0 : i32
    %dma_wait3A_242 = tpu.memref_slice %arg7[%dma_wait3A_226, %dma_wait3A_240, %dma_wait3A_227, %dma_wait3A_241] <%select_n3A_50> : memref<2x79x2x128xf32, #tpu.memory_space<vmem>> -> memref<1x?x1x128xf32, #tpu.memory_space<vmem>>
    %dma_wait3A_243 = tpu.memref_squeeze %dma_wait3A_242 : memref<1x?x1x128xf32, #tpu.memory_space<vmem>> -> memref<?x128xf32, #tpu.memory_space<vmem>>
    tpu.wait_dma2 semaphore(%arg9 : memref<!tpu.dma_semaphore, #tpu.memory_space<semaphore_mem>>) src(%dma_wait3A_243 : memref<?x128xf32, #tpu.memory_space<vmem>>) dst(%dma_wait3A_239 : memref<?x128xf32, #tpu.memory_space<hbm>>)
    %dma_wait3A_244 = arith.constant 1 : i32
    %dma_wait3A_245 = arith.constant 0 : i32
    %dma_wait3A_246 = arith.constant 1 : i32
    %dma_wait3A_247 = arith.constant 0 : i32
    %dma_wait3A_248 = arith.constant 0 : i32
    %dma_wait3A_249 = arith.constant 0 : i32
    %dma_wait3A_250 = tpu.memref_slice %arg7[%dma_wait3A_244, %dma_wait3A_248, %dma_wait3A_245, %dma_wait3A_249] <%select_n3A_50> : memref<2x79x2x128xf32, #tpu.memory_space<vmem>> -> memref<1x?x1x128xf32, #tpu.memory_space<vmem>>
    %dma_wait3A_251 = tpu.memref_squeeze %dma_wait3A_250 : memref<1x?x1x128xf32, #tpu.memory_space<vmem>> -> memref<?x128xf32, #tpu.memory_space<vmem>>
    %dma_wait3A_252 = arith.constant 0 : i32
    %dma_wait3A_253 = tpu.memref_slice %arg4[%dma_wait3A_246, %add3A_95, %dma_wait3A_247, %dma_wait3A_252] <%select_n3A_50> : memref<2x2500x2x128xf32, #tpu.memory_space<hbm>> -> memref<1x?x1x128xf32, #tpu.memory_space<hbm>>
    %dma_wait3A_254 = tpu.memref_squeeze %dma_wait3A_253 : memref<1x?x1x128xf32, #tpu.memory_space<hbm>> -> memref<?x128xf32, #tpu.memory_space<hbm>>
    %dma_wait3A_255 = arith.constant 0 : i32
    %dma_wait3A_256 = tpu.memref_slice %arg4[%dma_wait3A_246, %add3A_95, %dma_wait3A_247, %dma_wait3A_255] <%select_n3A_50> : memref<2x2500x2x128xf32, #tpu.memory_space<hbm>> -> memref<1x?x1x128xf32, #tpu.memory_space<hbm>>
    %dma_wait3A_257 = tpu.memref_squeeze %dma_wait3A_256 : memref<1x?x1x128xf32, #tpu.memory_space<hbm>> -> memref<?x128xf32, #tpu.memory_space<hbm>>
    %dma_wait3A_258 = arith.constant 0 : i32
    %dma_wait3A_259 = arith.constant 0 : i32
    %dma_wait3A_260 = tpu.memref_slice %arg7[%dma_wait3A_244, %dma_wait3A_258, %dma_wait3A_245, %dma_wait3A_259] <%select_n3A_50> : memref<2x79x2x128xf32, #tpu.memory_space<vmem>> -> memref<1x?x1x128xf32, #tpu.memory_space<vmem>>
    %dma_wait3A_261 = tpu.memref_squeeze %dma_wait3A_260 : memref<1x?x1x128xf32, #tpu.memory_space<vmem>> -> memref<?x128xf32, #tpu.memory_space<vmem>>
    tpu.wait_dma2 semaphore(%arg9 : memref<!tpu.dma_semaphore, #tpu.memory_space<semaphore_mem>>) src(%dma_wait3A_261 : memref<?x128xf32, #tpu.memory_space<vmem>>) dst(%dma_wait3A_257 : memref<?x128xf32, #tpu.memory_space<hbm>>)
    %dma_wait3A_262 = arith.constant 1 : i32
    %dma_wait3A_263 = arith.constant 1 : i32
    %dma_wait3A_264 = arith.constant 1 : i32
    %dma_wait3A_265 = arith.constant 1 : i32
    %dma_wait3A_266 = arith.constant 0 : i32
    %dma_wait3A_267 = arith.constant 0 : i32
    %dma_wait3A_268 = tpu.memref_slice %arg7[%dma_wait3A_262, %dma_wait3A_266, %dma_wait3A_263, %dma_wait3A_267] <%select_n3A_50> : memref<2x79x2x128xf32, #tpu.memory_space<vmem>> -> memref<1x?x1x128xf32, #tpu.memory_space<vmem>>
    %dma_wait3A_269 = tpu.memref_squeeze %dma_wait3A_268 : memref<1x?x1x128xf32, #tpu.memory_space<vmem>> -> memref<?x128xf32, #tpu.memory_space<vmem>>
    %dma_wait3A_270 = arith.constant 0 : i32
    %dma_wait3A_271 = tpu.memref_slice %arg4[%dma_wait3A_264, %add3A_115, %dma_wait3A_265, %dma_wait3A_270] <%select_n3A_50> : memref<2x2500x2x128xf32, #tpu.memory_space<hbm>> -> memref<1x?x1x128xf32, #tpu.memory_space<hbm>>
    %dma_wait3A_272 = tpu.memref_squeeze %dma_wait3A_271 : memref<1x?x1x128xf32, #tpu.memory_space<hbm>> -> memref<?x128xf32, #tpu.memory_space<hbm>>
    %dma_wait3A_273 = arith.constant 0 : i32
    %dma_wait3A_274 = tpu.memref_slice %arg4[%dma_wait3A_264, %add3A_115, %dma_wait3A_265, %dma_wait3A_273] <%select_n3A_50> : memref<2x2500x2x128xf32, #tpu.memory_space<hbm>> -> memref<1x?x1x128xf32, #tpu.memory_space<hbm>>
    %dma_wait3A_275 = tpu.memref_squeeze %dma_wait3A_274 : memref<1x?x1x128xf32, #tpu.memory_space<hbm>> -> memref<?x128xf32, #tpu.memory_space<hbm>>
    %dma_wait3A_276 = arith.constant 0 : i32
    %dma_wait3A_277 = arith.constant 0 : i32
    %dma_wait3A_278 = tpu.memref_slice %arg7[%dma_wait3A_262, %dma_wait3A_276, %dma_wait3A_263, %dma_wait3A_277] <%select_n3A_50> : memref<2x79x2x128xf32, #tpu.memory_space<vmem>> -> memref<1x?x1x128xf32, #tpu.memory_space<vmem>>
    %dma_wait3A_279 = tpu.memref_squeeze %dma_wait3A_278 : memref<1x?x1x128xf32, #tpu.memory_space<vmem>> -> memref<?x128xf32, #tpu.memory_space<vmem>>
    tpu.wait_dma2 semaphore(%arg9 : memref<!tpu.dma_semaphore, #tpu.memory_space<semaphore_mem>>) src(%dma_wait3A_279 : memref<?x128xf32, #tpu.memory_space<vmem>>) dst(%dma_wait3A_275 : memref<?x128xf32, #tpu.memory_space<hbm>>)
    %dma_wait3A_280 = arith.constant 0 : i32
    %dma_wait3A_281 = arith.constant 0 : i32
    %dma_wait3A_282 = arith.constant 0 : i32
    %dma_wait3A_283 = arith.constant 0 : i32
    %dma_wait3A_284 = arith.constant 0 : i32
    %dma_wait3A_285 = tpu.memref_slice %arg7[%dma_wait3A_280, %select_n3A_50, %dma_wait3A_281, %dma_wait3A_284] <%sub3A_139> : memref<2x79x2x128xf32, #tpu.memory_space<vmem>> -> memref<1x?x1x128xf32, #tpu.memory_space<vmem>>
    %dma_wait3A_286 = tpu.memref_squeeze %dma_wait3A_285 : memref<1x?x1x128xf32, #tpu.memory_space<vmem>> -> memref<?x128xf32, #tpu.memory_space<vmem>>
    %dma_wait3A_287 = arith.constant 0 : i32
    %dma_wait3A_288 = tpu.memref_slice %arg4[%dma_wait3A_282, %add3A_140, %dma_wait3A_283, %dma_wait3A_287] <%sub3A_139> : memref<2x2500x2x128xf32, #tpu.memory_space<hbm>> -> memref<1x?x1x128xf32, #tpu.memory_space<hbm>>
    %dma_wait3A_289 = tpu.memref_squeeze %dma_wait3A_288 : memref<1x?x1x128xf32, #tpu.memory_space<hbm>> -> memref<?x128xf32, #tpu.memory_space<hbm>>
    %dma_wait3A_290 = arith.constant 0 : i32
    %dma_wait3A_291 = tpu.memref_slice %arg4[%dma_wait3A_282, %add3A_140, %dma_wait3A_283, %dma_wait3A_290] <%sub3A_139> : memref<2x2500x2x128xf32, #tpu.memory_space<hbm>> -> memref<1x?x1x128xf32, #tpu.memory_space<hbm>>
    %dma_wait3A_292 = tpu.memref_squeeze %dma_wait3A_291 : memref<1x?x1x128xf32, #tpu.memory_space<hbm>> -> memref<?x128xf32, #tpu.memory_space<hbm>>
    %dma_wait3A_293 = arith.constant 0 : i32
    %dma_wait3A_294 = tpu.memref_slice %arg7[%dma_wait3A_280, %select_n3A_50, %dma_wait3A_281, %dma_wait3A_293] <%sub3A_139> : memref<2x79x2x128xf32, #tpu.memory_space<vmem>> -> memref<1x?x1x128xf32, #tpu.memory_space<vmem>>
    %dma_wait3A_295 = tpu.memref_squeeze %dma_wait3A_294 : memref<1x?x1x128xf32, #tpu.memory_space<vmem>> -> memref<?x128xf32, #tpu.memory_space<vmem>>
    tpu.wait_dma2 semaphore(%arg9 : memref<!tpu.dma_semaphore, #tpu.memory_space<semaphore_mem>>) src(%dma_wait3A_295 : memref<?x128xf32, #tpu.memory_space<vmem>>) dst(%dma_wait3A_292 : memref<?x128xf32, #tpu.memory_space<hbm>>)
    %dma_wait3A_296 = arith.constant 0 : i32
    %dma_wait3A_297 = arith.constant 1 : i32
    %dma_wait3A_298 = arith.constant 0 : i32
    %dma_wait3A_299 = arith.constant 1 : i32
    %dma_wait3A_300 = arith.constant 0 : i32
    %dma_wait3A_301 = tpu.memref_slice %arg7[%dma_wait3A_296, %select_n3A_50, %dma_wait3A_297, %dma_wait3A_300] <%sub3A_139> : memref<2x79x2x128xf32, #tpu.memory_space<vmem>> -> memref<1x?x1x128xf32, #tpu.memory_space<vmem>>
    %dma_wait3A_302 = tpu.memref_squeeze %dma_wait3A_301 : memref<1x?x1x128xf32, #tpu.memory_space<vmem>> -> memref<?x128xf32, #tpu.memory_space<vmem>>
    %dma_wait3A_303 = arith.constant 0 : i32
    %dma_wait3A_304 = tpu.memref_slice %arg4[%dma_wait3A_298, %add3A_157, %dma_wait3A_299, %dma_wait3A_303] <%sub3A_139> : memref<2x2500x2x128xf32, #tpu.memory_space<hbm>> -> memref<1x?x1x128xf32, #tpu.memory_space<hbm>>
    %dma_wait3A_305 = tpu.memref_squeeze %dma_wait3A_304 : memref<1x?x1x128xf32, #tpu.memory_space<hbm>> -> memref<?x128xf32, #tpu.memory_space<hbm>>
    %dma_wait3A_306 = arith.constant 0 : i32
    %dma_wait3A_307 = tpu.memref_slice %arg4[%dma_wait3A_298, %add3A_157, %dma_wait3A_299, %dma_wait3A_306] <%sub3A_139> : memref<2x2500x2x128xf32, #tpu.memory_space<hbm>> -> memref<1x?x1x128xf32, #tpu.memory_space<hbm>>
    %dma_wait3A_308 = tpu.memref_squeeze %dma_wait3A_307 : memref<1x?x1x128xf32, #tpu.memory_space<hbm>> -> memref<?x128xf32, #tpu.memory_space<hbm>>
    %dma_wait3A_309 = arith.constant 0 : i32
    %dma_wait3A_310 = tpu.memref_slice %arg7[%dma_wait3A_296, %select_n3A_50, %dma_wait3A_297, %dma_wait3A_309] <%sub3A_139> : memref<2x79x2x128xf32, #tpu.memory_space<vmem>> -> memref<1x?x1x128xf32, #tpu.memory_space<vmem>>
    %dma_wait3A_311 = tpu.memref_squeeze %dma_wait3A_310 : memref<1x?x1x128xf32, #tpu.memory_space<vmem>> -> memref<?x128xf32, #tpu.memory_space<vmem>>
    tpu.wait_dma2 semaphore(%arg9 : memref<!tpu.dma_semaphore, #tpu.memory_space<semaphore_mem>>) src(%dma_wait3A_311 : memref<?x128xf32, #tpu.memory_space<vmem>>) dst(%dma_wait3A_308 : memref<?x128xf32, #tpu.memory_space<hbm>>)
    %dma_wait3A_312 = arith.constant 1 : i32
    %dma_wait3A_313 = arith.constant 0 : i32
    %dma_wait3A_314 = arith.constant 1 : i32
    %dma_wait3A_315 = arith.constant 0 : i32
    %dma_wait3A_316 = arith.constant 0 : i32
    %dma_wait3A_317 = tpu.memref_slice %arg7[%dma_wait3A_312, %select_n3A_50, %dma_wait3A_313, %dma_wait3A_316] <%sub3A_139> : memref<2x79x2x128xf32, #tpu.memory_space<vmem>> -> memref<1x?x1x128xf32, #tpu.memory_space<vmem>>
    %dma_wait3A_318 = tpu.memref_squeeze %dma_wait3A_317 : memref<1x?x1x128xf32, #tpu.memory_space<vmem>> -> memref<?x128xf32, #tpu.memory_space<vmem>>
    %dma_wait3A_319 = arith.constant 0 : i32
    %dma_wait3A_320 = tpu.memref_slice %arg4[%dma_wait3A_314, %add3A_174, %dma_wait3A_315, %dma_wait3A_319] <%sub3A_139> : memref<2x2500x2x128xf32, #tpu.memory_space<hbm>> -> memref<1x?x1x128xf32, #tpu.memory_space<hbm>>
    %dma_wait3A_321 = tpu.memref_squeeze %dma_wait3A_320 : memref<1x?x1x128xf32, #tpu.memory_space<hbm>> -> memref<?x128xf32, #tpu.memory_space<hbm>>
    %dma_wait3A_322 = arith.constant 0 : i32
    %dma_wait3A_323 = tpu.memref_slice %arg4[%dma_wait3A_314, %add3A_174, %dma_wait3A_315, %dma_wait3A_322] <%sub3A_139> : memref<2x2500x2x128xf32, #tpu.memory_space<hbm>> -> memref<1x?x1x128xf32, #tpu.memory_space<hbm>>
    %dma_wait3A_324 = tpu.memref_squeeze %dma_wait3A_323 : memref<1x?x1x128xf32, #tpu.memory_space<hbm>> -> memref<?x128xf32, #tpu.memory_space<hbm>>
    %dma_wait3A_325 = arith.constant 0 : i32
    %dma_wait3A_326 = tpu.memref_slice %arg7[%dma_wait3A_312, %select_n3A_50, %dma_wait3A_313, %dma_wait3A_325] <%sub3A_139> : memref<2x79x2x128xf32, #tpu.memory_space<vmem>> -> memref<1x?x1x128xf32, #tpu.memory_space<vmem>>
    %dma_wait3A_327 = tpu.memref_squeeze %dma_wait3A_326 : memref<1x?x1x128xf32, #tpu.memory_space<vmem>> -> memref<?x128xf32, #tpu.memory_space<vmem>>
    tpu.wait_dma2 semaphore(%arg9 : memref<!tpu.dma_semaphore, #tpu.memory_space<semaphore_mem>>) src(%dma_wait3A_327 : memref<?x128xf32, #tpu.memory_space<vmem>>) dst(%dma_wait3A_324 : memref<?x128xf32, #tpu.memory_space<hbm>>)
    %dma_wait3A_328 = arith.constant 1 : i32
    %dma_wait3A_329 = arith.constant 1 : i32
    %dma_wait3A_330 = arith.constant 1 : i32
    %dma_wait3A_331 = arith.constant 1 : i32
    %dma_wait3A_332 = arith.constant 0 : i32
    %dma_wait3A_333 = tpu.memref_slice %arg7[%dma_wait3A_328, %select_n3A_50, %dma_wait3A_329, %dma_wait3A_332] <%sub3A_139> : memref<2x79x2x128xf32, #tpu.memory_space<vmem>> -> memref<1x?x1x128xf32, #tpu.memory_space<vmem>>
    %dma_wait3A_334 = tpu.memref_squeeze %dma_wait3A_333 : memref<1x?x1x128xf32, #tpu.memory_space<vmem>> -> memref<?x128xf32, #tpu.memory_space<vmem>>
    %dma_wait3A_335 = arith.constant 0 : i32
    %dma_wait3A_336 = tpu.memref_slice %arg4[%dma_wait3A_330, %add3A_191, %dma_wait3A_331, %dma_wait3A_335] <%sub3A_139> : memref<2x2500x2x128xf32, #tpu.memory_space<hbm>> -> memref<1x?x1x128xf32, #tpu.memory_space<hbm>>
    %dma_wait3A_337 = tpu.memref_squeeze %dma_wait3A_336 : memref<1x?x1x128xf32, #tpu.memory_space<hbm>> -> memref<?x128xf32, #tpu.memory_space<hbm>>
    %dma_wait3A_338 = arith.constant 0 : i32
    %dma_wait3A_339 = tpu.memref_slice %arg4[%dma_wait3A_330, %add3A_191, %dma_wait3A_331, %dma_wait3A_338] <%sub3A_139> : memref<2x2500x2x128xf32, #tpu.memory_space<hbm>> -> memref<1x?x1x128xf32, #tpu.memory_space<hbm>>
    %dma_wait3A_340 = tpu.memref_squeeze %dma_wait3A_339 : memref<1x?x1x128xf32, #tpu.memory_space<hbm>> -> memref<?x128xf32, #tpu.memory_space<hbm>>
    %dma_wait3A_341 = arith.constant 0 : i32
    %dma_wait3A_342 = tpu.memref_slice %arg7[%dma_wait3A_328, %select_n3A_50, %dma_wait3A_329, %dma_wait3A_341] <%sub3A_139> : memref<2x79x2x128xf32, #tpu.memory_space<vmem>> -> memref<1x?x1x128xf32, #tpu.memory_space<vmem>>
    %dma_wait3A_343 = tpu.memref_squeeze %dma_wait3A_342 : memref<1x?x1x128xf32, #tpu.memory_space<vmem>> -> memref<?x128xf32, #tpu.memory_space<vmem>>
    tpu.wait_dma2 semaphore(%arg9 : memref<!tpu.dma_semaphore, #tpu.memory_space<semaphore_mem>>) src(%dma_wait3A_343 : memref<?x128xf32, #tpu.memory_space<vmem>>) dst(%dma_wait3A_340 : memref<?x128xf32, #tpu.memory_space<hbm>>)
    return
  }
}

module attributes {stable_mosaic.version = 14 : i64} {
  func.func @_mm_body(%arg0: memref<4x128xf32, #tpu.memory_space<vmem>>, %arg1: memref<10000x128xf32, #tpu.memory_space<vmem>>, %arg2: memref<4x10000xf32, #tpu.memory_space<vmem>>) attributes {dimension_semantics = [], scalar_prefetch = 0 : i64, scratch_operands = 0 : i64, tpu.core_type = #tpu.core_type<tc>} {
    %get3A = arith.constant 0 : index
    %get3A_0 = arith.constant 0 : index
    %get3A_1 = vector.load %arg0[%get3A, %get3A_0] : memref<4x128xf32, #tpu.memory_space<vmem>>, vector<4x128xf32>
    %get3A_2 = arith.constant 0 : index
    %get3A_3 = arith.constant 0 : index
    %get3A_4 = vector.load %arg1[%get3A_2, %get3A_3] : memref<10000x128xf32, #tpu.memory_space<vmem>>, vector<10000x128xf32>
    %dot_general3A = arith.constant dense<0.000000e+00> : vector<4x10000xf32>
    %dot_general3A_5 = tpu.matmul %get3A_1, %get3A_4, %dot_general3A {dimension_numbers = #tpu.dot_dimension_numbers<[1], [1], [0], [0], [0, 0, 1, 0], [], []>, transpose_lhs_hint = false} : vector<4x128xf32>, vector<10000x128xf32>, vector<4x10000xf32> -> vector<4x10000xf32>
    %swap3A = arith.constant 0 : index
    %swap3A_6 = arith.constant 0 : index
    %swap3A_7 = vector.load %arg2[%swap3A, %swap3A_6] : memref<4x10000xf32, #tpu.memory_space<vmem>>, vector<4x10000xf32>
    tpu.vector_store %arg2[%swap3A, %swap3A_6], %dot_general3A_5 {strides = array<i32>} : memref<4x10000xf32, #tpu.memory_space<vmem>>, vector<4x10000xf32>,
    return
  }
}

</mosaic_0001>

<sc_bundles>
// kernel: kernel.4.cloned.1.call-start
scs
__scs_entry_jumppad:
0x0: {  	(pc) =	sbr.rel $0x88, $3  }
0x1: {  	(tag) =	ssettag $0x0;
	lr =	simm.s32 $0x1  }
0x2: {  	[smem:$0x3F9E] =	sst lr;
	_ =	strace $0xD0000000  }
0x3: {  	_ = 	snop  }
0x4: {  	_ = 	snop  }
0x5: {  	_ = 	snop  }
0x6: {  	_ = 	snop  }
0x7: {  	_ = 	snop  }
__scs_overlays_trampoline_lowered:
0x8: {  	[smem:$0x3FAD] =	sst s0  }
0x9: {  	[smem:$0x3FAE] =	sst s1  }
0xa: {  	[smem:$0x3FAF] =	sst s2  }
0xb: {  	[smem:$0x3FB0] =	sst s3  }
0xc: {  	[smem:$0x3FB1] =	sst s4  }
0xd: {  	[smem:$0x3FB2] =	sst s5  }
0xe: {  	[smem:$0x3FB3] =	sst s6  }
0xf: {  	[smem:$0x3FB4] =	sst s7  }
0x10: {  	[smem:$0x3FB5] =	sst s8  }
0x11: {  	[smem:$0x3FB6] =	sst s9;
	s0 =	simm.s32 @!p0 $0x0  }
0x12: {  	s1 =	sld [smem:$0x3F9C];
	s0 =	simm.s32 @p0 $0x1  }
0x13: {  	[smem:$0x3FB7] =	sst s0;
	s0 =	simm.s32 @!p1 $0x0  }
0x14: {  	s2 =	sld [smem:$0x3F9B];
	s0 =	simm.s32 @p1 $0x1  }
0x15: {  	[smem:$0x3FB8] =	sst s0;
	s0 =	simm.s32 @!p2 $0x0  }
0x16: {  	s3 =	sld [smem:$0x3FDB];
	s0 =	simm.s32 @p2 $0x1  }
0x17: {  	s4 =	simm.s32 $0x1BF5;
	[smem:$0x3FBA] =	sst s0  }
0x18: {  	s0 =	sld [smem:$0x3F9D];
	_ =	swait.ge [sflag:s4], $0x0  }
0x19: {  	s7 =	sld [smem:$0x3F9E]  }
0x1a: {  	s8 =	sadd.s32 $0xFFFFE003, lr  }
0x1b: {  	s9 =	sadd.s32 $0xFFFFFEF7, lr;
	s5 =	simm.s32 $0xFFFFFFFF;
	p2 =	slt.u32 s8, $0xFFFFF086  }
0x1c: {  	p1 =	slt.u32 s9, $0xF7A;
	s5 =	simm.s32 @!p2 $0x0  }
0x1d: {  	s5 =	simm.s32 @p1 $0x1;
	p0 =	seq.s32 s7, s2  }
0x1e: {  	s7 =	smul.u32 @!p0 $0xF7A, s2;
	p2 =	seq.s32 @!p0 s5, $0x0  }
0x1f: {  	s9 =	smul.u32 $0xF7A, s1;
	s8 =	simm.s32 @!p0 $0x1BF5;
	p2 =	por !p2, p0  }
0x20: {  	[sflag:s8] =	ssyncset.s32 @!p0 $0xFFFFF086;
	s6 =	sadd.s32 @!p0 s3, s7;
	s7 =	simm.s32 @!p0 $0x108  }
0x21: {  	s3 =	sadd.s32 s3, s9;
	s6 =	sadd.s32 @!p0 $0x88, s6;
	s7 =	simm.s32 @p2 $0x1082  }
0x22: {  	[simem:s7], [sflag:s8] =	dma.local @!p0 [hbm:s6], $0xF7A  }
0x23: {  	s9 =	sor.u32 $0xD0000000, s2;
	s6 =	simm.s32 $0x108;
	_ =	swait.ge @!p0 [sflag:s8], $0x0  }
0x24: {  	s3 =	sadd.s32 $0x88, s3;
	s6 =	simm.s32 @!p1 $0x1082;
	[sflag:s4] =	ssyncset.s32 $0xFFFFF086  }
0x25: {  	[simem:s6], [sflag:s4] =	dma.local [hbm:s3], $0xF7A  }
0x26: {  	[smem:$0x3F9E] =	sst s1;
	(tag) =	ssettag s2;
	_ =	strace s9  }
0x27: {  	s1 =	sld [smem:$0x3FAE]  }
0x28: {  	s2 =	sld [smem:$0x3FAF]  }
0x29: {  	s4 =	sld [smem:$0x3FB1]  }
0x2a: {  	p0 =	seq.s32 s5, $0x0;
	s5 =	sld [smem:$0x3FB2]  }
0x2b: {  	s6 =	sld [smem:$0x3FB3]  }
0x2c: {  	s7 =	sld [smem:$0x3FB4]  }
0x2d: {  	s3 =	simm.s32 $0x108;
	s8 =	sld [smem:$0x3FB5]  }
0x2e: {  	s3 =	simm.s32 @!p0 $0x1082;
	s9 =	sld [smem:$0x3FB6]  }
0x2f: {  	lr =	sadd.s32 s0, s3;
	s0 =	sld [smem:$0x3FAD]  }
0x30: {  	s3 =	sld [smem:$0x3FB0]  }
0x31: {  	[smem:$0x3FB9] =	sst s10  }
0x32: {  	s10 =	sld [smem:$0x3FB7];
	_ =	sdelay $0x3  }
0x33: {  	p0 =	seq.s32 s10, $0x1;
	s10 =	sld [smem:$0x3FB9];
	_ =	sdelay $0x3  }
0x34: {  	[smem:$0x3FB9] =	sst s10  }
0x35: {  	s10 =	sld [smem:$0x3FB8];
	_ =	sdelay $0x3  }
0x36: {  	p1 =	seq.s32 s10, $0x1;
	s10 =	sld [smem:$0x3FB9];
	_ =	sdelay $0x3  }
0x37: {  	[smem:$0x3FB9] =	sst s10  }
0x38: {  	s10 =	sld [smem:$0x3FBA]  }
0x39: {  	_ = 	snop;
	(pc) =	sbr.ind lr, $3  }
0x3a: {  	_ = 	snop  }
0x3b: {  	_ = 	snop  }
0x3c: {  	p2 =	seq.s32 s10, $0x1;
	s10 =	sld [smem:$0x3FB9]  }
0x3d: {  	_ =	shalt  }
0x3e: {  	_ =	shalt  }
0x3f: {  	_ =	shalt  }
0x40: {  	_ =	shalt  }
0x41: {  	_ =	shalt  }
0x42: {  	_ =	shalt  }
0x43: {  	_ =	shalt  }
0x44: {  	_ =	shalt  }
0x45: {  	_ =	shalt  }
0x46: {  	_ =	shalt  }
0x47: {  	_ =	shalt  }
0x48: {  	_ =	shalt  }
0x49: {  	_ =	shalt  }
0x4a: {  	_ =	shalt  }
0x4b: {  	_ =	shalt  }
0x4c: {  	_ =	shalt  }
0x4d: {  	_ =	shalt  }
0x4e: {  	_ =	shalt  }
0x4f: {  	_ =	shalt  }
0x50: {  	_ =	shalt  }
0x51: {  	_ =	shalt  }
0x52: {  	_ =	shalt  }
0x53: {  	_ =	shalt  }
0x54: {  	_ =	shalt  }
0x55: {  	_ =	shalt  }
0x56: {  	_ =	shalt  }
0x57: {  	_ =	shalt  }
0x58: {  	_ =	shalt  }
0x59: {  	_ =	shalt  }
0x5a: {  	_ =	shalt  }
0x5b: {  	_ =	shalt  }
0x5c: {  	_ =	shalt  }
0x5d: {  	_ =	shalt  }
0x5e: {  	_ =	shalt  }
0x5f: {  	_ =	shalt  }
0x60: {  	_ =	shalt  }
0x61: {  	_ =	shalt  }
0x62: {  	_ =	shalt  }
0x63: {  	_ =	shalt  }
0x64: {  	_ =	shalt  }
0x65: {  	_ =	shalt  }
0x66: {  	_ =	shalt  }
0x67: {  	_ =	shalt  }
0x68: {  	_ =	shalt  }
0x69: {  	_ =	shalt  }
0x6a: {  	_ =	shalt  }
0x6b: {  	_ =	shalt  }
0x6c: {  	_ =	shalt  }
0x6d: {  	_ =	shalt  }
0x6e: {  	_ =	shalt  }
0x6f: {  	_ =	shalt  }
0x70: {  	_ =	shalt  }
0x71: {  	_ =	shalt  }
0x72: {  	_ =	shalt  }
0x73: {  	_ =	shalt  }
0x74: {  	_ =	shalt  }
0x75: {  	_ =	shalt  }
0x76: {  	_ =	shalt  }
0x77: {  	_ =	shalt  }
0x78: {  	_ =	shalt  }
0x79: {  	_ =	shalt  }
0x7a: {  	_ =	shalt  }
0x7b: {  	_ =	shalt  }
0x7c: {  	_ =	shalt  }
0x7d: {  	_ =	shalt  }
0x7e: {  	_ =	shalt  }
0x7f: {  	_ =	shalt  }
0x80: {  	_ =	shalt  }
0x81: {  	_ =	shalt  }
0x82: {  	_ =	shalt  }
0x83: {  	_ =	shalt  }
0x84: {  	_ =	shalt  }
0x85: {  	_ =	shalt  }
0x86: {  	_ =	shalt  }
0x87: {  	_ =	shalt  }
.Lfunc_end0:
.L_simem_size_0:
called_computation_lowered:
.L_overlay_start_0:
0x88: {  	s2 =	sld [smem:$0x3FD9]  }
0x89: {  	s3 =	sld [smem:$0x3FFE];
	_ =	sdelay $0x1  }
0x8a: {  	s1 =	srdreg.scid  }
0x8b: {  	s0 =	sand.u32 $0x1, s1  }
0x8c: {  	s17 =	sshll.u32 s0, $0xA;
	s2 =	sadd.s32 s3, s2  }
0x8d: {  	s2 =	sadd.s32 s2, s17  }
0x8e: {  	[smem:$0x3FC5] =	sst s2  }
0x8f: {  	_ = 	snop  }
0x90: {  	s2 =	sld [smem:$0x3FC8]  }
0x91: {  	s18 =	sld [smem:$0x3FD0];
	(tm) =	ssettm $0x1  }
0x92: {  	s4 =	sld [smem:$0x3FFB];
	_ =	sdelay $0x3  }
0x93: {  	_ =	strace s4  }
0x94: {  	s4 =	sld [smem:$0x3FFC];
	_ =	sdelay $0x3  }
0x95: {  	_ =	strace s4  }
0x96: {  	s4 =	sld [smem:$0x3FFD];
	_ =	sdelay $0x3  }
0x97: {  	_ =	strace s4  }
0x98: {  	_ =	strace $0x8FFFFFFF  }
0x99: {  	s19 =	sld [smem:$0x3FDB];
	_ =	sdelay $0x1  }
0x9a: {  	s5 =	simm.s32 $_scs_section_size  }
0x9b: {  	s6 =	simm.s32 $_size__tile_overlayer_lowered;
	s7 =	simm.s32 $_tile_overlayer_lowered  }
0x9c: {  	s22 =	simm.s32 $0x1BFF;
	s21 =	sshll.u32 s7, $0x1;
	s4 =	sadd.s32 s5, s19  }
0x9d: {  	s8 =	simm.s32 $0x0;
	s20 =	sshll.u32 s6, $0x1;
	s6 =	sadd.s32 s21, s4  }
0x9e: {  	[timem:s8], [sflag:s22] =	dma.local [hbm:s6], s20  }
0x9f: {  	_ =	swait.ge [sflag:s22], s20  }
0xa0: {  	s5 =	ssub.s32 $0x0, s20;
	[sflag:s22] =	ssyncset.done $0x0  }
0xa1: {  	[sflag:s22] =	ssyncadd.s32 s5;
	_ =	sdelay $0x1  }
0xa2: {  	s23 =	simm.s32 $0x1B8B  }
0xa3: {  	_ =	swait.ge [sflag:s23], $0x1  }
0xa4: {  	[sflag:s23] =	ssyncset.done $0x0  }
0xa5: {  	s25 =	simm.s32 $0x1B8E;
	s24 =	sld [smem:$0x3FFE];
	[sflag:s23] =	ssyncadd.s32 $0xFFFFFFFF  }
0xa6: {  	s26 =	simm.s32 $execute0_lowered;
	[smem:$0x3FD2] =	sst s25  }
0xa7: {  	s6 =	sshll.u32 s26, $0x1;
	_ =	strace $0x80000046;
	[dreg:$0x1] =	wrdreg $0xFFFFFFFF  }
0xa8: {  	s28 =	simm.s32 $_size_execute0_lowered;
	s4 =	sadd.s32 s4, s6;
	[dreg:$0x0] =	wrdreg $0x0  }
0xa9: {  	s6 =	sshll.u32 s28, $0x1;
	[dreg:$0x2] =	wrdreg s4  }
0xaa: {  	[dreg:$0x3] =	wrdreg s6  }
0xab: {  	[dreg:$0x4] =	wrdreg $0xC0  }
0xac: {  	_ =	task [dreg:s8], $0x5FFFF  }
0xad: {  	[dreg:$0x1] =	wrdreg $0xFFFFFFFF  }
0xae: {  	[dreg:$0x0] =	wrdreg $0x60  }
0xaf: {  	[dreg:$0x2] =	wrdreg s24  }
0xb0: {  	[dreg:$0x3] =	wrdreg s2  }
0xb1: {  	[dreg:$0x4] =	wrdreg s18  }
0xb2: {  	[dreg:$0x5] =	wrdreg $0x9  }
0xb3: {  	_ =	task.clear_ibuf [dreg:s8], $0x6FFFF;
	_ =	strace $0x90000046  }
0xb4: {  	s29 =	simm.s32 $0x9;
	_ =	strace $0x80000048  }
0xb5: {  	_ =	swait.ge [sflag:s29], $0x1  }
0xb6: {  	[sflag:s29] =	ssyncadd.s32 $0xFFFFFFFF  }
0xb7: {  	_ =	strace $0x90000048  }
0xb8: {  	_ =	sfence  }
0xb9: {  	s30 =	sld [smem:$0x0];
	_ =	sdelay $0x2  }
0xba: {  	s31 =	sshll.u32 s1, $0xD;
	s1 =	sshrl.u32 s1, $0x2  }
0xbb: {  	s3 =	sand.u32 $0x4000, s31;
	s1 =	sadd.s32 s1, s30  }
0xbc: {  	s0 =	sor.u32 s3, s0;
	s1 =	sshll.u32 s1, $0x11  }
0xbd: {  	s0 =	sor.u32 s1, s0  }
0xbe: {  	s0 =	sadd.s32 $0x8F2B, s0  }
0xbf: {  	[sflag:s0] =	ssyncadd.remote.s32 $0x1  }
0xc0: {  	_ =	sfence.sel $0xFFFF  }
0xc1: {  	[dreg:$0x0] =	wrdreg $0xFFFFFFFF;
	(pc) =	sbr.abs _section_cstart, $3  }
0xc2: {  	[dreg:$0x1] =	wrdreg $0xFFFFFFFF  }
0xc3: {  	_ =	task.clear_ibuf [dreg:s8], $0x2FFFF;
	_ =	strace $0x9FFFFFFF  }
0xc4: {  	(tm) =	ssettm $0x7FFFFFFF  }
0xc5: {  	_ =	shalt  }
tec
execute0_lowered:
.L_overlay_start_1:
0x0: {  	(tag) =	ssettag $0x1  }
0x1: {  	s0 =	rddreg [dreg:$0x0]  }
0x2: {  	s1 =	rddreg [dreg:$0x1]  }
0x3: {  	s3 =	rddreg [dreg:$0x2]  }
0x4: {  	s2 =	simm.s32 $0x0;
	s4 =	srdreg.scid;
	s6 =	stileid.u32  }
0x5: {  	[smem:$0x7FF] =	sst s2;
	s4 =	sand.u32 $0x1, s4;
	s5 =	sshll.u32 s6, $0x1  }
0x6: {  	s0 =	sadd.s32 $0x800, s0;
	p0 =	slt.u32 s6, $0x2;
	s6 =	simm.s32 $0x4F  }
0x7: {  	_ =	strace $0x80000047;
	s5 =	sor.u32 s4, s5;
	[dreg:$0x4] =	wrdreg s0  }
0x8: {  	s23 =	ssub.s32 $0x2, s4;
	s6 =	simm.s32 @!p0 $0x4E;
	s24 =	smul.u32 $0x4E, s5  }
0x9: {  	s5 =	smin.u32 s5, $0x4;
	s7 =	sshrl.u32 s23, $0x1;
	s22 =	sadd.s32 $0xFFFFFFD9, s6  }
0xa: {  	s0 =	ssub.s32 s23, s7;
	s31 =	sshll.u32 s22, $0x7;
	s4 =	sadd.s32 s5, s24  }
0xb: {  	[dreg:$0xb] =	wrdreg s31;
	s0 =	smax.u32 s0, $0x1;
	s5 =	sshll.u32 s4, $0x5  }
0xc: {  	s4 =	sshll.u32 s6, $0x8;
	[dreg:$0xd] =	wrdreg s0;
	s1 =	sadd.s32 s1, s5  }
0xd: {  	s25 =	ssub.s32 $0x0, s4;
	s7 =	sadd.s32 s3, s5;
	[dreg:$0x5] =	wrdreg s1  }
0xe: {  	[dreg:$0x6] =	wrdreg s25;
	s26 =	sadd.s32 $0x4E0, s7  }
0xf: {  	s28 =	sadd.s32 $0x4F0, s7;
	[dreg:$0x7] =	wrdreg s26  }
0x10: {  	s29 =	sadd.s32 $0x13D60, s7;
	[dreg:$0x8] =	wrdreg s28  }
0x11: {  	s21 =	simm.s32 $0x0;
	s30 =	sadd.s32 $0x13D70, s7;
	[dreg:$0x9] =	wrdreg s29  }
0x12: {  	s8 =	sadd.s32 $0x10, s7;
	s1 =	ssub.s32 $0x0, s31;
	[dreg:$0xa] =	wrdreg s30  }
0x13: {  	s9 =	sadd.s32 $0x13880, s7;
	s10 =	sadd.s32 $0x13890, s7;
	[dreg:$0xc] =	wrdreg s1  }
.LBB2_1:
0x14: {  	s0 =	rddreg [dreg:$0x4]  }
0x15: {  	[tilespmem:s2], [sflag:$0x1] =	stream.linear.gather [hbm4b:s0+s2], $0x9C40, $0x38;
	[tilespmem:$0x18940] =	vst v63  }
0x16: {  	s13 =	rddreg [dreg:$0x5];
	s1 =	simm.s32 $0x9C40;
	s5 =	simm.s32 $0x1  }
0x17: {  	[tilespmem:s1], [sflag:$0x1] =	stream.linear.gather [hbm4b:s13+s2], s4, $0x38;
	[tilespmem:$0x18940] =	vst v63  }
0x18: {  	_ =	swait.ge [sflag:s5], $0x9C40  }
0x19: {  	[sflag:s5] =	ssyncset.done $0x0  }
0x1a: {  	[sflag:s5] =	ssyncadd.s32 $0xFFFF63C0  }
0x1b: {  	s14 =	sand.u32 $0x70, s2;
	_ =	swait.ge [sflag:s5], s4  }
0x1c: {  	s15 =	sand.u32 $0x3F00, s2;
	[sflag:s5] =	ssyncset.done $0x0;
	s3 =	rddreg [dreg:$0x6]  }
0x1d: {  	s0 =	sor.u32 s14, s15;
	[sflag:s5] =	ssyncadd.s32 s3  }
0x1e: {  	v13 =	vld [tilespmem:s0+$0x9C40]  }
0x1f: {  	v12 =	vld [tilespmem:s0+$0x9CC0];
	_ =	sdelay $0x6  }
0x20: {  	v0 =	vld.idx.msk [tilespmem:v13+s2+$0x0], $0xffff  }
0x21: {  	v1 =	vld.idx.msk [tilespmem:v12+s2+$0x0], $0xffff;
	_ =	sdelay $0x1  }
0x22: {  	s16 =	simm.s32 $0x20;
	s17 =	simm.s32 $0x10  }
0x23: {  	s1 =	sand.u32 $0x3F00, s16;
	s3 =	sand.u32 $0x70, s17  }
0x24: {  	s1 =	sor.u32 s3, s1  }
0x25: {  	v16 =	vld [tilespmem:s1+$0x9CC0];
	v0 =	vadd.f32 v1, v0  }
0x26: {  	v17 =	vld [tilespmem:s1+$0x9C40]  }
0x27: {  	v0 =	vadd.f32 v0, v0;
	_ =	sdelay $0x1  }
0x28: {  	v0 =	vmul.f32 $1.442695020e+00, v0;
	_ =	sdelay $0x1  }
0x29: {  	(erf) = vpow2.f32 v0;
	_ =	sdelay $0x1  }
0x2a: {  	v1 =	vld.idx.msk [tilespmem:v16+s2+$0x0], $0xffff  }
0x2b: {  	v0 =	vld.idx.msk [tilespmem:v17+s2+$0x0], $0xffff  }
0x2c: {  	s18 =	simm.s32 $0x40;
	s19 =	simm.s32 $0x20  }
0x2d: {  	s5 =	sand.u32 $0x70, s19;
	s3 =	sand.u32 $0x3F00, s18  }
0x2e: {  	s3 =	sor.u32 s5, s3  }
0x2f: {  	v15 =	vld [tilespmem:s3+$0x9CC0]  }
0x30: {  	v14 =	vld [tilespmem:s3+$0x9C40];
	v0 =	vadd.f32 v1, v0  }
0x31: {  	v1 =	vpop (erf)  }
0x32: {  	v0 =	vadd.f32 v0, v0;
	v1 =	vadd.f32 $1.000000000e+00, v1;
	_ =	sdelay $0x1  }
0x33: {  	v0 =	vmul.f32 $1.442695020e+00, v0;
	(erf) = vrcp.f32 v1;
	_ =	sdelay $0x1  }
0x34: {  	(erf) = vpow2.f32 v0  }
0x35: {  	v1 =	vld.idx.msk [tilespmem:v15+s2+$0x0], $0xffff  }
0x36: {  	v0 =	vld.idx.msk [tilespmem:v14+s2+$0x0], $0xffff;
	_ =	sdelay $0x4  }
0x37: {  	v0 =	vadd.f32 v1, v0;
	v2 =	vpop (erf)  }
0x38: {  	s20 =	simm.s32 $0x60;
	s6 =	simm.s32 $0x30;
	v3 =	vadd.s32 $0x2710, v13;
	v2 =	vadd.f32 v2, v2  }
0x39: {  	s6 =	sand.u32 $0x70, s6;
	s5 =	sand.u32 $0x3F00, s20;
	v1 =	vadd.s32 $0x2710, v12;
	v0 =	vadd.f32 v0, v0;
	v4 =	vpop (erf)  }
0x3a: {  	s5 =	sor.u32 s6, s5;
	v4 =	vadd.f32 $1.000000000e+00, v4;
	v2 =	vsub.f32 $1.000000000e+00, v2  }
0x3b: {  	v10 =	vld [tilespmem:s5+$0x9C40]  }
0x3c: {  	v11 =	vld [tilespmem:s5+$0x9CC0];
	v0 =	vmul.f32 $1.442695020e+00, v0;
	(erf) = vrcp.f32 v4;
	[tilespmem:s0+$0xEB40] =	vst v2  }
0x3d: {  	v2 =	vld.idx.msk [tilespmem:v3+s2+$0x0], $0xffff  }
0x3e: {  	(erf) = vpow2.f32 v0;
	v1 =	vld.idx.msk [tilespmem:v1+s2+$0x0], $0xffff;
	_ =	sdelay $0x4  }
0x3f: {  	v0 =	vadd.f32 v1, v2  }
0x40: {  	v1 =	vld.idx.msk [tilespmem:v10+s2+$0x0], $0xffff  }
0x41: {  	v2 =	vld.idx.msk [tilespmem:v11+s2+$0x0], $0xffff;
	v0 =	vadd.f32 v0, v0;
	v3 =	vpop (erf)  }
0x42: {  	s23 =	simm.s32 $0x80;
	s12 =	simm.s32 $0x40;
	v4 =	vadd.s32 $0x2710, v17;
	v3 =	vadd.f32 v3, v3  }
0x43: {  	s12 =	sand.u32 $0x70, s12;
	s6 =	sand.u32 $0x3F00, s23;
	v5 =	vadd.s32 $0x2710, v16;
	v6 =	vpop (erf);
	v0 =	vmul.f32 $1.442695020e+00, v0  }
0x44: {  	s6 =	sor.u32 s12, s6;
	v6 =	vadd.f32 $1.000000000e+00, v6;
	v3 =	vsub.f32 $1.000000000e+00, v3  }
0x45: {  	v9 =	vld [tilespmem:s6+$0x9CC0];
	(erf) = vpow2.f32 v0  }
0x46: {  	v8 =	vld [tilespmem:s6+$0x9C40];
	v0 =	vadd.f32 v2, v1;
	[tilespmem:s1+$0xEB40] =	vst v3;
	(erf) = vrcp.f32 v6  }
0x47: {  	v1 =	vld.idx.msk [tilespmem:v4+s2+$0x0], $0xffff  }
0x48: {  	v0 =	vadd.f32 v0, v0;
	v2 =	vld.idx.msk [tilespmem:v5+s2+$0x0], $0xffff;
	_ =	sdelay $0x1  }
0x49: {  	v0 =	vmul.f32 $1.442695020e+00, v0;
	_ =	sdelay $0x1  }
0x4a: {  	(erf) = vpow2.f32 v0  }
0x4b: {  	v3 =	vld.idx.msk [tilespmem:v9+s2+$0x0], $0xffff;
	v1 =	vadd.f32 v2, v1  }
0x4c: {  	v0 =	vld.idx.msk [tilespmem:v8+s2+$0x0], $0xffff;
	v2 =	vpop (erf)  }
0x4d: {  	v1 =	vadd.f32 v1, v1;
	v2 =	vadd.f32 $1.000000000e+00, v2;
	v4 =	vpop (erf)  }
0x4e: {  	s24 =	simm.s32 $0xA0;
	s13 =	simm.s32 $0x50;
	v5 =	vadd.s32 $0x2710, v14;
	v4 =	vadd.f32 v4, v4  }
0x4f: {  	s13 =	sand.u32 $0x70, s13;
	s12 =	sand.u32 $0x3F00, s24;
	v6 =	vadd.s32 $0x2710, v15;
	v1 =	vmul.f32 $1.442695020e+00, v1;
	(erf) = vrcp.f32 v2  }
0x50: {  	s12 =	sor.u32 s13, s12;
	v4 =	vsub.f32 $1.000000000e+00, v4  }
0x51: {  	v3 =	vadd.f32 v3, v0;
	v0 =	vld [tilespmem:s12+$0x9CC0]  }
0x52: {  	v2 =	vld [tilespmem:s12+$0x9C40];
	(erf) = vpow2.f32 v1;
	[tilespmem:s3+$0xEB40] =	vst v4  }
0x53: {  	v3 =	vadd.f32 v3, v3;
	v1 =	vpop (erf);
	v4 =	vld.idx.msk [tilespmem:v5+s2+$0x0], $0xffff  }
0x54: {  	v1 =	vadd.f32 $1.000000000e+00, v1;
	v5 =	vld.idx.msk [tilespmem:v6+s2+$0x0], $0xffff  }
0x55: {  	v3 =	vmul.f32 $1.442695020e+00, v3  }
0x56: {  	(erf) = vrcp.f32 v1  }
0x57: {  	(erf) = vpow2.f32 v3  }
0x58: {  	v1 =	vpop (erf)  }
0x59: {  	v3 =	vadd.s32 $0x4E20, v13;
	v4 =	vadd.f32 v5, v4;
	v1 =	vadd.f32 v1, v1  }
0x5a: {  	v6 =	vadd.s32 $0x4E20, v12;
	v18 =	vld.idx.msk [tilespmem:v0+s2+$0x0], $0xffff  }
0x5b: {  	v5 =	vld.idx.msk [tilespmem:v2+s2+$0x0], $0xffff;
	v7 =	vpop (erf);
	v4 =	vadd.f32 v4, v4;
	v1 =	vsub.f32 $1.000000000e+00, v1  }
0x5c: {  	v7 =	vadd.f32 $1.000000000e+00, v7  }
0x5d: {  	s25 =	simm.s32 $0xC0;
	s14 =	simm.s32 $0x60;
	[tilespmem:s0+$0xEBC0] =	vst v1  }
0x5e: {  	s14 =	sand.u32 $0x70, s14;
	s13 =	sand.u32 $0x3F00, s25;
	(erf) = vrcp.f32 v7;
	v1 =	vmul.f32 $1.442695020e+00, v4;
	v7 =	vld.idx.msk [tilespmem:v3+s2+$0x0], $0xffff  }
0x5f: {  	s13 =	sor.u32 s14, s13;
	v4 =	vpop (erf);
	v6 =	vld.idx.msk [tilespmem:v6+s2+$0x0], $0xffff  }
0x60: {  	v3 =	vld [tilespmem:s13+$0x9C40];
	(erf) = vpow2.f32 v1;
	v1 =	vadd.f32 v18, v5;
	v18 =	vpop (erf)  }
0x61: {  	v19 =	vadd.s32 $0x2710, v10;
	v20 =	vadd.f32 v4, v4;
	v4 =	vld [tilespmem:s13+$0x9CC0];
	v18 =	vadd.f32 $1.000000000e+00, v18  }
0x62: {  	v5 =	vadd.s32 $0x2710, v11;
	v1 =	vadd.f32 v1, v1  }
0x63: {  	v20 =	vsub.f32 $1.000000000e+00, v20;
	(erf) = vrcp.f32 v18  }
0x64: {  	v1 =	vmul.f32 $1.442695020e+00, v1;
	v6 =	vadd.f32 v6, v7  }
0x65: {  	[tilespmem:s5+$0xEB40] =	vst v20  }
0x66: {  	v18 =	vld.idx.msk [tilespmem:v19+s2+$0x0], $0xffff;
	v6 =	vadd.f32 v6, v6  }
0x67: {  	v5 =	vld.idx.msk [tilespmem:v5+s2+$0x0], $0xffff  }
0x68: {  	(erf) = vpow2.f32 v1;
	v19 =	vld.idx.msk [tilespmem:v3+s2+$0x0], $0xffff;
	v1 =	vpop (erf);
	v6 =	vmul.f32 $1.442695020e+00, v6  }
0x69: {  	s26 =	simm.s32 $0xE0;
	s15 =	simm.s32 $0x70;
	v7 =	vadd.s32 $0x4E20, v17;
	v22 =	vld.idx.msk [tilespmem:v4+s2+$0x0], $0xffff;
	v1 =	vadd.f32 v1, v1  }
0x6a: {  	s15 =	sand.u32 $0x70, s15;
	s14 =	sand.u32 $0x3F00, s26;
	v20 =	vadd.s32 $0x4E20, v16;
	v21 =	vpop (erf)  }
0x6b: {  	s18 =	sor.u32 s15, s14;
	v21 =	vadd.f32 $1.000000000e+00, v21;
	(erf) = vpow2.f32 v6;
	v23 =	vsub.f32 $1.000000000e+00, v1  }
0x6c: {  	v5 =	vadd.f32 v5, v18;
	v1 =	vld [tilespmem:s18+$0x9C40];
	v6 =	vpop (erf)  }
0x6d: {  	v18 =	vadd.s32 $0x2710, v8;
	(erf) = vrcp.f32 v21;
	[tilespmem:s1+$0xEBC0] =	vst v23;
	v21 =	vadd.f32 v6, v6;
	v6 =	vld [tilespmem:s18+$0x9CC0]  }
0x6e: {  	v5 =	vadd.f32 v5, v5;
	v19 =	vadd.f32 v22, v19;
	v22 =	vadd.s32 $0x2710, v9;
	v7 =	vld.idx.msk [tilespmem:v7+s2+$0x0], $0xffff  }
0x6f: {  	v20 =	vld.idx.msk [tilespmem:v20+s2+$0x0], $0xffff;
	v21 =	vsub.f32 $1.000000000e+00, v21  }
0x70: {  	v5 =	vmul.f32 $1.442695020e+00, v5  }
0x71: {  	v23 =	vpop (erf);
	v19 =	vadd.f32 v19, v19;
	[tilespmem:s6+$0xEB40] =	vst v21  }
0x72: {  	v23 =	vadd.f32 $1.000000000e+00, v23;
	(erf) = vpow2.f32 v5;
	v18 =	vld.idx.msk [tilespmem:v18+s2+$0x0], $0xffff  }
0x73: {  	v5 =	vmul.f32 $1.442695020e+00, v19;
	v19 =	vld.idx.msk [tilespmem:v22+s2+$0x0], $0xffff  }
0x74: {  	(erf) = vrcp.f32 v23;
	v7 =	vadd.f32 v20, v7;
	v20 =	vpop (erf);
	v21 =	vld.idx.msk [tilespmem:v1+s2+$0x0], $0xffff  }
0x75: {  	(erf) = vpow2.f32 v5;
	v5 =	vadd.f32 $1.000000000e+00, v20;
	v22 =	vld.idx.msk [tilespmem:v6+s2+$0x0], $0xffff;
	_ =	sdelay $0x1  }
0x76: {  	v7 =	vadd.f32 v7, v7;
	(erf) = vrcp.f32 v5  }
0x77: {  	v20 =	vpop (erf)  }
0x78: {  	s28 =	simm.s32 $0x100;
	s29 =	simm.s32 $0x80;
	v23 =	vadd.s32 $0x4E20, v14;
	v20 =	vadd.f32 v20, v20;
	v18 =	vadd.f32 v19, v18  }
0x79: {  	s15 =	sand.u32 $0x70, s29;
	s14 =	sand.u32 $0x3F00, s28;
	v24 =	vadd.s32 $0x4E20, v15;
	v5 =	vmul.f32 $1.442695020e+00, v7;
	v21 =	vadd.f32 v22, v21  }
0x7a: {  	s14 =	sor.u32 s15, s14;
	v19 =	vsub.f32 $1.000000000e+00, v20;
	v7 =	vpop (erf);
	v18 =	vadd.f32 v18, v18  }
0x7b: {  	(erf) = vpow2.f32 v5;
	v5 =	vld [tilespmem:s14+$0x9C40];
	v20 =	vadd.f32 $1.000000000e+00, v7;
	v21 =	vadd.f32 v21, v21  }
0x7c: {  	v7 =	vld [tilespmem:s14+$0x9CC0];
	[tilespmem:s3+$0xEBC0] =	vst v19;
	v19 =	vadd.s32 $0x2710, v2;
	v22 =	vpop (erf)  }
0x7d: {  	v23 =	vld.idx.msk [tilespmem:v23+s2+$0x0], $0xffff;
	v18 =	vmul.f32 $1.442695020e+00, v18;
	v22 =	vadd.f32 v22, v22;
	(erf) = vrcp.f32 v20  }
0x7e: {  	v20 =	vld.idx.msk [tilespmem:v24+s2+$0x0], $0xffff;
	v24 =	vadd.s32 $0x2710, v0;
	v25 =	vpop (erf)  }
0x7f: {  	(erf) = vpow2.f32 v18;
	v22 =	vsub.f32 $1.000000000e+00, v22;
	v18 =	vmul.f32 $1.442695020e+00, v21;
	v21 =	vpop (erf)  }
0x80: {  	v25 =	vadd.f32 $1.000000000e+00, v25;
	v21 =	vadd.f32 v21, v21  }
0x81: {  	[tilespmem:s12+$0xEB40] =	vst v22  }
0x82: {  	v13 =	vadd.s32 $0x7530, v13;
	(erf) = vrcp.f32 v25;
	v19 =	vld.idx.msk [tilespmem:v19+s2+$0x0], $0xffff;
	v21 =	vsub.f32 $1.000000000e+00, v21  }
0x83: {  	v12 =	vadd.s32 $0x7530, v12;
	v20 =	vadd.f32 v20, v23;
	(erf) = vpow2.f32 v18;
	v18 =	vld.idx.msk [tilespmem:v24+s2+$0x0], $0xffff  }
0x84: {  	v22 =	vpop (erf)  }
0x85: {  	v23 =	vld.idx.msk [tilespmem:v5+s2+$0x0], $0xffff;
	v22 =	vadd.f32 $1.000000000e+00, v22;
	v20 =	vadd.f32 v20, v20  }
0x86: {  	s30 =	simm.s32 $0x120;
	s16 =	simm.s32 $0x90;
	v24 =	vld.idx.msk [tilespmem:v7+s2+$0x0], $0xffff;
	[tilespmem:s0+$0x13A40] =	vst v21;
	v21 =	vpop (erf)  }
0x87: {  	s16 =	sand.u32 $0x70, s16;
	s15 =	sand.u32 $0x3F00, s30;
	(erf) = vrcp.f32 v22;
	v22 =	vld.idx.msk [tilespmem:v13+s2+$0x0], $0xffff;
	v13 =	vmul.f32 $1.442695020e+00, v20;
	v20 =	vadd.f32 v21, v21  }
0x88: {  	s15 =	sor.u32 s16, s15;
	v25 =	vadd.s32 $0x4E20, v10;
	v21 =	vld.idx.msk [tilespmem:v12+s2+$0x0], $0xffff;
	v12 =	vadd.f32 v18, v19  }
0x89: {  	v18 =	vpop (erf);
	(erf) = vpow2.f32 v13;
	v19 =	vadd.s32 $0x4E20, v11;
	v13 =	vld [tilespmem:s15+$0x9C40];
	v20 =	vsub.f32 $1.000000000e+00, v20  }
0x8a: {  	v18 =	vadd.f32 $1.000000000e+00, v18  }
0x8b: {  	v23 =	vadd.f32 v24, v23;
	v24 =	vpop (erf);
	v27 =	vadd.f32 v12, v12  }
0x8c: {  	v26 =	vadd.s32 $0x2710, v3;
	v12 =	vld [tilespmem:s15+$0x9CC0];
	v24 =	vadd.f32 v24, v24;
	(erf) = vrcp.f32 v18;
	[tilespmem:s5+$0xEBC0] =	vst v20  }
0x8d: {  	v18 =	vadd.f32 v23, v23;
	v23 =	vmul.f32 $1.442695020e+00, v27;
	v21 =	vadd.f32 v21, v22;
	v22 =	vld.idx.msk [tilespmem:v25+s2+$0x0], $0xffff;
	v20 =	vpop (erf)  }
0x8e: {  	v28 =	vadd.s32 $0x2710, v4;
	v19 =	vld.idx.msk [tilespmem:v19+s2+$0x0], $0xffff;
	v20 =	vadd.f32 $1.000000000e+00, v20  }
0x8f: {  	v24 =	vsub.f32 $1.000000000e+00, v24;
	(erf) = vpow2.f32 v23  }
0x90: {  	v18 =	vmul.f32 $1.442695020e+00, v18;
	v21 =	vadd.f32 v21, v21;
	(erf) = vrcp.f32 v20  }
0x91: {  	[tilespmem:s13+$0xEB40] =	vst v24;
	v23 =	vpop (erf);
	v25 =	vld.idx.msk [tilespmem:v13+s2+$0x0], $0xffff  }
0x92: {  	v20 =	vadd.f32 v23, v23;
	v23 =	vld.idx.msk [tilespmem:v26+s2+$0x0], $0xffff;
	(erf) = vpow2.f32 v18;
	v18 =	vmul.f32 $1.442695020e+00, v21  }
0x93: {  	v17 =	vadd.s32 $0x7530, v17;
	v24 =	vadd.s32 $0x7530, v16;
	v16 =	vpop (erf);
	v21 =	vld.idx.msk [tilespmem:v28+s2+$0x0], $0xffff;
	v19 =	vadd.f32 v19, v22  }
0x94: {  	s31 =	simm.s32 $0x140;
	s17 =	simm.s32 $0xA0;
	v26 =	vadd.f32 $1.000000000e+00, v16;
	(erf) = vpow2.f32 v18;
	v18 =	vld.idx.msk [tilespmem:v12+s2+$0x0], $0xffff  }
0x95: {  	s19 =	sand.u32 $0x70, s17;
	s16 =	sand.u32 $0x3F00, s31;
	v20 =	vsub.f32 $1.000000000e+00, v20;
	v19 =	vadd.f32 v19, v19  }
0x96: {  	s19 =	sor.u32 s19, s16;
	v22 =	vpop (erf);
	(erf) = vrcp.f32 v26  }
0x97: {  	v16 =	vld [tilespmem:s19+$0x9C40];
	[tilespmem:s1+$0x13A40] =	vst v20;
	v20 =	vadd.f32 v22, v22;
	v26 =	vadd.s32 $0x4E20, v8;
	v19 =	vmul.f32 $1.442695020e+00, v19  }
0x98: {  	v22 =	vld.idx.msk [tilespmem:v17+s2+$0x0], $0xffff;
	v17 =	vadd.f32 v21, v23;
	v21 =	vpop (erf)  }
0x99: {  	v24 =	vld.idx.msk [tilespmem:v24+s2+$0x0], $0xffff;
	v27 =	vsub.f32 $1.000000000e+00, v20;
	v18 =	vadd.f32 v18, v25;
	v25 =	vpop (erf)  }
0x9a: {  	v23 =	vadd.s32 $0x4E20, v9;
	v25 =	vadd.f32 v25, v25  }
0x9b: {  	v21 =	vadd.f32 $1.000000000e+00, v21;
	(erf) = vpow2.f32 v19;
	v63 =	vadd.f32 v17, v17;
	v17 =	vld [tilespmem:s19+$0x9CC0];
	[tilespmem:s6+$0xEBC0] =	vst v27;
	v19 =	vpop (erf)  }
0x9c: {  	v20 =	vadd.s32 $0x2710, v1;
	v29 =	vadd.f32 $1.000000000e+00, v19;
	v19 =	vld.idx.msk [tilespmem:v26+s2+$0x0], $0xffff;
	v26 =	vsub.f32 $1.000000000e+00, v25  }
0x9d: {  	(erf) = vrcp.f32 v21;
	v27 =	vadd.f32 v18, v18;
	v18 =	vmul.f32 $1.442695020e+00, v63  }
0x9e: {  	v21 =	vadd.s32 $0x2710, v6;
	v24 =	vadd.f32 v24, v22;
	v25 =	vpop (erf)  }
0x9f: {  	v22 =	vld.idx.msk [tilespmem:v23+s2+$0x0], $0xffff;
	(erf) = vpow2.f32 v18;
	v25 =	vadd.f32 $1.000000000e+00, v25  }
0xa0: {  	s20 =	simm.s32 $0x160;
	v23 =	vmul.f32 $1.442695020e+00, v27;
	v24 =	vadd.f32 v24, v24;
	[tilespmem:s18+$0xEB40] =	vst v26;
	v18 =	vld.idx.msk [tilespmem:v16+s2+$0x0], $0xffff;
	(erf) = vrcp.f32 v29;
	v26 =	vpop (erf)  }
.LBB2_2:
0xa1: {  	p0 =	sne.s32 s20, $0x26E0;
	v27 =	vld.idx.msk [tilespmem:v20+s2+$0x0], $0xffff;
	v20 =	vadd.f32 v26, v26;
	v26 =	vadd.s32 $0x7530, v14;
	(erf) = vrcp.f32 v25;
	v14 =	vmovc v10;
	v10 =	vmovc v8  }
0xa2: {  	v8 =	vmovc v2;
	v2 =	vmovc v3;
	v3 =	vmov v1;
	v1 =	vmov v5;
	v5 =	vmov v13;
	s23 =	smov.u32 s3;
	s3 =	smov.u32 s5;
	s5 =	smov.u32 s6  }
0xa3: {  	s17 =	sadd.s32 $0x10, s17;
	v13 =	vmovc v16;
	s6 =	smov.u32 s12;
	s12 =	smov.u32 s13;
	(erf) = vpow2.f32 v23;
	v21 =	vld.idx.msk [tilespmem:v21+s2+$0x0], $0xffff;
	v23 =	vadd.s32 $0x7530, v15;
	v28 =	vmul.f32 $1.442695020e+00, v24;
	v15 =	vmovc v11  }
0xa4: {  	s24 =	sand.u32 $0x3F00, s20;
	s13 =	smov.u32 s18;
	s16 =	sand.u32 $0x70, s17;
	v19 =	vadd.f32 v22, v19;
	v11 =	vmov v9;
	v25 =	vld.idx.msk [tilespmem:v17+s2+$0x0], $0xffff;
	v16 =	vpop (erf);
	v20 =	vsub.f32 $1.000000000e+00, v20  }
0xa5: {  	s18 =	smov.u32 s14;
	s14 =	smov.u32 s15;
	v9 =	vmovc v0;
	v0 =	vmovc v4;
	v4 =	vmov v6;
	s16 =	sor.u32 s16, s24;
	v22 =	vadd.f32 $1.000000000e+00, v16;
	(erf) = vpow2.f32 v28  }
0xa6: {  	s15 =	smov.u32 s19;
	v6 =	vmov v7;
	v7 =	vmov v12;
	v19 =	vadd.f32 v19, v19;
	s19 =	smov.u32 s16;
	v16 =	vld [tilespmem:s16+$0x9C40];
	v24 =	vpop (erf);
	[tilespmem:s23+$0x13A40] =	vst v20  }
0xa7: {  	v12 =	vmovc v17;
	v28 =	vadd.s32 $0x4E20, v8;
	v24 =	vadd.f32 v24, v24;
	(erf) = vrcp.f32 v22;
	v26 =	vld.idx.msk [tilespmem:v26+s2+$0x0], $0xffff  }
0xa8: {  	v22 =	vadd.s32 $0x4E20, v9;
	v17 =	vmul.f32 $1.442695020e+00, v19;
	v23 =	vld.idx.msk [tilespmem:v23+s2+$0x0], $0xffff  }
0xa9: {  	v20 =	vadd.s32 $0x2710, v1;
	v19 =	vadd.f32 v21, v27;
	v21 =	vpop (erf);
	v30 =	vsub.f32 $1.000000000e+00, v24  }
0xaa: {  	v31 =	vadd.f32 v25, v18;
	v25 =	vpop (erf);
	v27 =	vadd.f32 $1.000000000e+00, v21;
	(erf) = vpow2.f32 v17  }
0xab: {  	v21 =	vadd.s32 $0x2710, v6;
	v29 =	vadd.f32 v19, v19;
	v17 =	vld [tilespmem:s19+$0x9CC0];
	v25 =	vadd.f32 v25, v25;
	[tilespmem:s6+$0xEBC0] =	vst v30;
	v24 =	vpop (erf)  }
.Ltmp0:
0xac: {  	v30 =	vadd.f32 v31, v31;
	v18 =	vpop (erf);
	(erf) = vrcp.f32 v27;
	v19 =	vld.idx.msk [tilespmem:v28+s2+$0x0], $0xffff;
	v24 =	vadd.f32 v24, v24;
	(pc) =	sbr.rel @p0 .LBB2_2-.Ltmp0, $4  }
0xad: {  	v27 =	vadd.f32 $1.000000000e+00, v18;
	v18 =	vsub.f32 $1.000000000e+00, v25;
	v25 =	vmul.f32 $1.442695020e+00, v29;
	v22 =	vld.idx.msk [tilespmem:v22+s2+$0x0], $0xffff  }
0xae: {  	v28 =	vadd.f32 v23, v26;
	v23 =	vpop (erf);
	v29 =	vsub.f32 $1.000000000e+00, v24  }
0xaf: {  	[tilespmem:s18+$0xEB40] =	vst v18;
	(erf) = vpow2.f32 v25;
	v25 =	vadd.f32 $1.000000000e+00, v23  }
0xb0: {  	s20 =	sadd.s32 $0x20, s20;
	v23 =	vmul.f32 $1.442695020e+00, v30;
	v24 =	vadd.f32 v28, v28;
	v18 =	vld.idx.msk [tilespmem:v16+s2+$0x0], $0xffff;
	(erf) = vrcp.f32 v27;
	v26 =	vpop (erf);
	[tilespmem:s0+$0x13AC0] =	vst v29;
	s0 =	smov.u32 s1;
	s1 =	smov.u32 s23  }
0xb1: {  	_ =	sdelay $0x3  }
0xb2: {  	v20 =	vld.idx.msk [tilespmem:v20+s2+$0x0], $0xffff;
	(erf) = vrcp.f32 v25;
	v24 =	vmul.f32 $1.442695020e+00, v24  }
0xb3: {  	v21 =	vld.idx.msk [tilespmem:v21+s2+$0x0], $0xffff;
	(erf) = vpow2.f32 v23  }
0xb4: {  	v19 =	vadd.f32 v22, v19;
	v55 =	vpop (erf);
	(erf) = vpow2.f32 v24  }
0xb5: {  	v26 =	vadd.f32 v26, v26;
	v14 =	vadd.s32 $0x7530, v14;
	v22 =	vadd.f32 $1.000000000e+00, v55  }
0xb6: {  	v15 =	vadd.s32 $0x7530, v15;
	v58 =	vld.idx.msk [tilespmem:v17+s2+$0x0], $0xffff;
	v59 =	vadd.s32 $0x4E20, v2;
	v19 =	vadd.f32 v19, v19;
	v57 =	vpop (erf)  }
0xb7: {  	v56 =	vsub.f32 $1.000000000e+00, v26;
	v24 =	vadd.f32 v57, v57;
	(erf) = vrcp.f32 v22  }
0xb8: {  	v62 =	vadd.s32 $0x4E20, v0;
	v19 =	vmul.f32 $1.442695020e+00, v19;
	v20 =	vadd.f32 v21, v20;
	v60 =	vpop (erf)  }
0xb9: {  	v31 =	vadd.s32 $0x2710, v5;
	[tilespmem:s3+$0x13A40] =	vst v56;
	v28 =	vsub.f32 $1.000000000e+00, v24;
	v63 =	vadd.f32 $1.000000000e+00, v60;
	v29 =	vpop (erf)  }
0xba: {  	v61 =	vld.idx.msk [tilespmem:v14+s2+$0x0], $0xffff;
	(erf) = vpow2.f32 v19;
	v30 =	vadd.f32 v20, v20;
	v24 =	vadd.f32 v29, v29  }
0xbb: {  	v32 =	vadd.s32 $0x2710, v7;
	v15 =	vld.idx.msk [tilespmem:v15+s2+$0x0], $0xffff;
	v18 =	vadd.f32 v58, v18;
	[tilespmem:s12+$0xEBC0] =	vst v28;
	v14 =	vpop (erf);
	(erf) = vrcp.f32 v63  }
0xbc: {  	v19 =	vmul.f32 $1.442695020e+00, v30;
	v33 =	vpop (erf);
	v26 =	vld.idx.msk [tilespmem:v59+s2+$0x0], $0xffff;
	v24 =	vsub.f32 $1.000000000e+00, v24  }
0xbd: {  	v18 =	vadd.f32 v18, v18;
	v23 =	vld.idx.msk [tilespmem:v62+s2+$0x0], $0xffff;
	v21 =	vadd.f32 $1.000000000e+00, v33;
	v27 =	vpop (erf)  }
0xbe: {  	(erf) = vpow2.f32 v19;
	[tilespmem:s14+$0xEB40] =	vst v24;
	v34 =	vadd.f32 $1.000000000e+00, v27  }
0xbf: {  	v18 =	vmul.f32 $1.442695020e+00, v18;
	(erf) = vrcp.f32 v21;
	v20 =	vld.idx.msk [tilespmem:v31+s2+$0x0], $0xffff  }
0xc0: {  	v15 =	vadd.f32 v15, v61;
	v35 =	vpop (erf);
	v36 =	vld.idx.msk [tilespmem:v32+s2+$0x0], $0xffff;
	(erf) = vrcp.f32 v34  }
0xc1: {  	v21 =	vadd.f32 v35, v35;
	(erf) = vpow2.f32 v18  }
0xc2: {  	v10 =	vadd.s32 $0x7530, v10;
	v15 =	vadd.f32 v15, v15;
	v37 =	vadd.f32 v23, v26  }
0xc3: {  	v11 =	vadd.s32 $0x7530, v11;
	v38 =	vpop (erf);
	v21 =	vsub.f32 $1.000000000e+00, v21  }
0xc4: {  	v15 =	vmul.f32 $1.442695020e+00, v15;
	v22 =	vadd.f32 $1.000000000e+00, v38;
	v40 =	vadd.f32 v37, v37;
	v39 =	vpop (erf)  }
0xc5: {  	v42 =	vadd.s32 $0x4E20, v3;
	v19 =	vadd.f32 v36, v20;
	v41 =	vadd.f32 v39, v39  }
0xc6: {  	v43 =	vadd.s32 $0x4E20, v4;
	(erf) = vpow2.f32 v15;
	[tilespmem:s5+$0x13A40] =	vst v21;
	v15 =	vmul.f32 $1.442695020e+00, v40  }
0xc7: {  	(erf) = vrcp.f32 v22;
	v45 =	vld.idx.msk [tilespmem:v10+s2+$0x0], $0xffff;
	v44 =	vpop (erf);
	v19 =	vadd.f32 v19, v19;
	v18 =	vsub.f32 $1.000000000e+00, v41  }
0xc8: {  	v11 =	vld.idx.msk [tilespmem:v11+s2+$0x0], $0xffff;
	(erf) = vpow2.f32 v15;
	v21 =	vadd.f32 $1.000000000e+00, v44;
	v47 =	vpop (erf)  }
0xc9: {  	v49 =	vmul.f32 $1.442695020e+00, v19;
	[tilespmem:s13+$0xEBC0] =	vst v18;
	v10 =	vpop (erf)  }
0xca: {  	v46 =	vadd.s32 $0x2710, v13;
	v48 =	vadd.f32 v47, v47;
	(erf) = vrcp.f32 v21;
	v51 =	vpop (erf);
	v23 =	vld.idx.msk [tilespmem:v42+s2+$0x0], $0xffff  }
0xcb: {  	v50 =	vadd.s32 $0x2710, v12;
	v20 =	vld.idx.msk [tilespmem:v43+s2+$0x0], $0xffff;
	(erf) = vpow2.f32 v49;
	v21 =	vadd.f32 $1.000000000e+00, v51  }
0xcc: {  	v15 =	vsub.f32 $1.000000000e+00, v48  }
0xcd: {  	v11 =	vadd.f32 v11, v45;
	(erf) = vrcp.f32 v21  }
0xce: {  	[tilespmem:s15+$0xEB40] =	vst v15  }
0xcf: {  	v52 =	vpop (erf);
	v11 =	vadd.f32 v11, v11;
	v54 =	vld.idx.msk [tilespmem:v46+s2+$0x0], $0xffff  }
0xd0: {  	v8 =	vadd.s32 $0x7530, v8;
	v18 =	vadd.f32 $1.000000000e+00, v52;
	v53 =	vpop (erf);
	v19 =	vld.idx.msk [tilespmem:v50+s2+$0x0], $0xffff;
	v20 =	vadd.f32 v20, v23  }
0xd1: {  	v9 =	vadd.s32 $0x7530, v9;
	v15 =	vadd.f32 v53, v53;
	v11 =	vmul.f32 $1.442695020e+00, v11;
	v55 =	vpop (erf)  }
0xd2: {  	(erf) = vrcp.f32 v18;
	v56 =	vadd.f32 $1.000000000e+00, v55;
	v20 =	vadd.f32 v20, v20  }
0xd3: {  	v59 =	vadd.s32 $0x4E20, v1;
	v15 =	vsub.f32 $1.000000000e+00, v15;
	(erf) = vpow2.f32 v11;
	v57 =	vpop (erf)  }
0xd4: {  	(erf) = vrcp.f32 v56;
	v58 =	vadd.f32 v57, v57;
	v60 =	vmul.f32 $1.442695020e+00, v20;
	v62 =	vpop (erf)  }
0xd5: {  	v24 =	vadd.s32 $0x4E20, v6;
	[tilespmem:s6+$0x13A40] =	vst v15;
	v61 =	vadd.f32 v19, v54;
	v19 =	vadd.f32 $1.000000000e+00, v62  }
0xd6: {  	v27 =	vadd.s32 $0x2710, v16;
	v63 =	vld.idx.msk [tilespmem:v8+s2+$0x0], $0xffff;
	v11 =	vsub.f32 $1.000000000e+00, v58;
	(erf) = vpow2.f32 v60;
	v25 =	vpop (erf)  }
0xd7: {  	v9 =	vld.idx.msk [tilespmem:v9+s2+$0x0], $0xffff;
	v26 =	vadd.f32 v61, v61;
	(erf) = vrcp.f32 v19;
	v21 =	vadd.f32 v25, v25  }
0xd8: {  	v28 =	vadd.s32 $0x2710, v17;
	[tilespmem:s18+$0xEBC0] =	vst v11  }
0xd9: {  	v29 =	vmul.f32 $1.442695020e+00, v26;
	v30 =	vld.idx.msk [tilespmem:v59+s2+$0x0], $0xffff;
	v21 =	vsub.f32 $1.000000000e+00, v21  }
0xda: {  	v31 =	vld.idx.msk [tilespmem:v24+s2+$0x0], $0xffff  }
0xdb: {  	v8 =	vpop (erf);
	(erf) = vpow2.f32 v29;
	[tilespmem:s19+$0xEB40] =	vst v21  }
0xdc: {  	v9 =	vadd.f32 v9, v63;
	v32 =	vpop (erf);
	v18 =	vld.idx.msk [tilespmem:v27+s2+$0x0], $0xffff  }
0xdd: {  	v34 =	vadd.s32 $0x7530, v2;
	v33 =	vpop (erf);
	v19 =	vld.idx.msk [tilespmem:v28+s2+$0x0], $0xffff  }
0xde: {  	v37 =	vadd.s32 $0x7530, v0;
	v9 =	vadd.f32 v9, v9;
	v20 =	vadd.f32 v33, v33  }
0xdf: {  	v41 =	vadd.s32 $0x4E20, v5;
	v11 =	vadd.f32 $1.000000000e+00, v32;
	v35 =	vadd.f32 v31, v30;
	v36 =	vpop (erf)  }
0xe0: {  	v9 =	vmul.f32 $1.442695020e+00, v9;
	v20 =	vsub.f32 $1.000000000e+00, v20;
	v15 =	vadd.f32 $1.000000000e+00, v36;
	v38 =	vpop (erf)  }
0xe1: {  	(erf) = vrcp.f32 v11;
	v39 =	vadd.f32 v35, v35;
	v40 =	vadd.f32 v38, v38  }
0xe2: {  	v43 =	vadd.s32 $0x4E20, v7;
	(erf) = vpow2.f32 v9;
	v42 =	vadd.f32 v19, v18  }
0xe3: {  	[tilespmem:s12+$0x13A40] =	vst v20;
	(erf) = vrcp.f32 v15;
	v9 =	vmul.f32 $1.442695020e+00, v39;
	v11 =	vsub.f32 $1.000000000e+00, v40  }
0xe4: {  	v44 =	vpop (erf);
	v2 =	vld.idx.msk [tilespmem:v34+s2+$0x0], $0xffff;
	v15 =	vadd.f32 v42, v42  }
0xe5: {  	v20 =	vld.idx.msk [tilespmem:v37+s2+$0x0], $0xffff;
	v19 =	vadd.f32 $1.000000000e+00, v44;
	(erf) = vpow2.f32 v9;
	[tilespmem:s14+$0xEBC0] =	vst v11  }
0xe6: {  	v45 =	vmul.f32 $1.442695020e+00, v15;
	v46 =	vld.idx.msk [tilespmem:v41+s2+$0x0], $0xffff  }
0xe7: {  	(erf) = vrcp.f32 v19;
	v11 =	vld.idx.msk [tilespmem:v43+s2+$0x0], $0xffff  }
0xe8: {  	(erf) = vpow2.f32 v45;
	_ =	sdelay $0x1  }
0xe9: {  	v0 =	vpop (erf);
	v2 =	vadd.f32 v20, v2  }
0xea: {  	v47 =	vpop (erf)  }
0xeb: {  	v2 =	vadd.f32 v2, v2;
	v48 =	vpop (erf);
	v9 =	vadd.f32 v11, v46  }
0xec: {  	v49 =	vadd.s32 $0x7530, v3;
	v15 =	vadd.f32 $1.000000000e+00, v47;
	v18 =	vadd.f32 v48, v48  }
0xed: {  	v50 =	vadd.s32 $0x7530, v4;
	v2 =	vmul.f32 $1.442695020e+00, v2;
	v51 =	vpop (erf);
	v9 =	vadd.f32 v9, v9  }
0xee: {  	(erf) = vrcp.f32 v15;
	v18 =	vsub.f32 $1.000000000e+00, v18;
	v11 =	vadd.f32 $1.000000000e+00, v51  }
0xef: {  	v54 =	vadd.s32 $0x4E20, v13;
	(erf) = vpow2.f32 v2;
	v52 =	vpop (erf)  }
0xf0: {  	v53 =	vadd.f32 v52, v52;
	v9 =	vmul.f32 $1.442695020e+00, v9;
	[tilespmem:s13+$0x13A40] =	vst v18;
	(erf) = vrcp.f32 v11;
	v55 =	vpop (erf)  }
0xf1: {  	v56 =	vadd.s32 $0x4E20, v12;
	v3 =	vld.idx.msk [tilespmem:v49+s2+$0x0], $0xffff;
	v11 =	vadd.f32 $1.000000000e+00, v55  }
0xf2: {  	v4 =	vld.idx.msk [tilespmem:v50+s2+$0x0], $0xffff;
	v2 =	vsub.f32 $1.000000000e+00, v53;
	(erf) = vpow2.f32 v9  }
0xf3: {  	(erf) = vrcp.f32 v11  }
0xf4: {  	[tilespmem:s15+$0xEBC0] =	vst v2  }
0xf5: {  	v2 =	vld.idx.msk [tilespmem:v54+s2+$0x0], $0xffff  }
0xf6: {  	v57 =	vld.idx.msk [tilespmem:v56+s2+$0x0], $0xffff  }
0xf7: {  	v58 =	vpop (erf);
	v3 =	vadd.f32 v4, v3  }
0xf8: {  	v59 =	vpop (erf)  }
0xf9: {  	v61 =	vadd.s32 $0x7530, v1;
	v3 =	vadd.f32 v3, v3;
	v60 =	vpop (erf)  }
0xfa: {  	v62 =	vadd.s32 $0x7530, v6;
	v11 =	vadd.f32 $1.000000000e+00, v59;
	v15 =	vadd.f32 v60, v60  }
0xfb: {  	v20 =	vadd.s32 $0x4E20, v16;
	v2 =	vadd.f32 v57, v2;
	v3 =	vmul.f32 $1.442695020e+00, v3;
	v63 =	vpop (erf)  }
0xfc: {  	(erf) = vrcp.f32 v11;
	v9 =	vadd.f32 $1.000000000e+00, v63;
	v18 =	vsub.f32 $1.000000000e+00, v15;
	v19 =	vpop (erf)  }
0xfd: {  	v2 =	vadd.f32 v2, v2;
	(erf) = vpow2.f32 v3;
	v3 =	vadd.f32 v19, v19  }
0xfe: {  	v21 =	vadd.s32 $0x4E20, v17;
	(erf) = vrcp.f32 v9;
	[tilespmem:s18+$0x13A40] =	vst v18  }
0xff: {  	v2 =	vmul.f32 $1.442695020e+00, v2;
	v1 =	vld.idx.msk [tilespmem:v61+s2+$0x0], $0xffff;
	v3 =	vsub.f32 $1.000000000e+00, v3  }
0x100: {  	v6 =	vld.idx.msk [tilespmem:v62+s2+$0x0], $0xffff  }
0x101: {  	(erf) = vpow2.f32 v2;
	[tilespmem:s19+$0xEBC0] =	vst v3  }
0x102: {  	v22 =	vld.idx.msk [tilespmem:v20+s2+$0x0], $0xffff  }
0x103: {  	v3 =	vld.idx.msk [tilespmem:v21+s2+$0x0], $0xffff;
	_ =	sdelay $0x1  }
0x104: {  	v23 =	vpop (erf);
	v1 =	vadd.f32 v6, v1  }
0x105: {  	v24 =	vpop (erf)  }
0x106: {  	v25 =	vpop (erf);
	v1 =	vadd.f32 v1, v1  }
0x107: {  	v26 =	vadd.s32 $0x7530, v5;
	v11 =	vadd.f32 v25, v25;
	v2 =	vadd.f32 v3, v22  }
0x108: {  	v28 =	vadd.s32 $0x7530, v7;
	v27 =	vadd.f32 $1.000000000e+00, v24  }
0x109: {  	v1 =	vmul.f32 $1.442695020e+00, v1;
	v29 =	vpop (erf);
	v11 =	vsub.f32 $1.000000000e+00, v11;
	v2 =	vadd.f32 v2, v2  }
0x10a: {  	(erf) = vrcp.f32 v27;
	v30 =	vadd.f32 $1.000000000e+00, v29  }
0x10b: {  	(erf) = vpow2.f32 v1;
	[tilespmem:s14+$0x13A40] =	vst v11;
	v31 =	vmul.f32 $1.442695020e+00, v2  }
0x10c: {  	(erf) = vrcp.f32 v30;
	v32 =	vld.idx.msk [tilespmem:v26+s2+$0x0], $0xffff  }
0x10d: {  	v33 =	vld.idx.msk [tilespmem:v28+s2+$0x0], $0xffff;
	(erf) = vpow2.f32 v31;
	_ =	sdelay $0x4  }
0x10e: {  	v34 =	vadd.f32 v33, v32  }
0x10f: {  	v35 =	vpop (erf)  }
0x110: {  	v36 =	vpop (erf);
	v1 =	vadd.f32 v34, v34  }
0x111: {  	v3 =	vadd.f32 $1.000000000e+00, v36;
	v37 =	vpop (erf)  }
0x112: {  	v38 =	vadd.s32 $0x7530, v13;
	v5 =	vadd.f32 v37, v37;
	v1 =	vmul.f32 $1.442695020e+00, v1;
	v39 =	vpop (erf)  }
0x113: {  	v40 =	vadd.s32 $0x7530, v12;
	(erf) = vrcp.f32 v3;
	v7 =	vadd.f32 $1.000000000e+00, v39  }
0x114: {  	v5 =	vsub.f32 $1.000000000e+00, v5;
	(erf) = vpow2.f32 v1  }
0x115: {  	(erf) = vrcp.f32 v7  }
0x116: {  	[tilespmem:s15+$0x13A40] =	vst v5  }
0x117: {  	v41 =	vld.idx.msk [tilespmem:v38+s2+$0x0], $0xffff  }
0x118: {  	v3 =	vld.idx.msk [tilespmem:v40+s2+$0x0], $0xffff;
	_ =	sdelay $0x3  }
0x119: {  	v42 =	vpop (erf)  }
0x11a: {  	v1 =	vadd.f32 v3, v41;
	v43 =	vpop (erf)  }
0x11b: {  	v44 =	vpop (erf)  }
0x11c: {  	v45 =	vadd.s32 $0x7530, v16;
	v1 =	vadd.f32 v1, v1;
	v6 =	vadd.f32 v44, v44  }
0x11d: {  	v46 =	vadd.s32 $0x7530, v17;
	v3 =	vadd.f32 $1.000000000e+00, v43  }
0x11e: {  	v1 =	vmul.f32 $1.442695020e+00, v1;
	v6 =	vsub.f32 $1.000000000e+00, v6  }
0x11f: {  	(erf) = vrcp.f32 v3  }
0x120: {  	(erf) = vpow2.f32 v1;
	[tilespmem:s19+$0x13A40] =	vst v6  }
0x121: {  	v47 =	vld.idx.msk [tilespmem:v45+s2+$0x0], $0xffff  }
0x122: {  	v48 =	vld.idx.msk [tilespmem:v46+s2+$0x0], $0xffff;
	_ =	sdelay $0x4  }
0x123: {  	v1 =	vadd.f32 v48, v47  }
0x124: {  	v49 =	vpop (erf)  }
0x125: {  	v50 =	vpop (erf);
	v1 =	vadd.f32 v1, v1  }
0x126: {  	v6 =	vadd.f32 $1.000000000e+00, v50  }
0x127: {  	v1 =	vmul.f32 $1.442695020e+00, v1  }
0x128: {  	(erf) = vrcp.f32 v6  }
0x129: {  	(erf) = vpow2.f32 v1;
	_ =	sdelay $0x7  }
0x12a: {  	v51 =	vpop (erf)  }
0x12b: {  	v52 =	vpop (erf)  }
0x12c: {  	v6 =	vadd.f32 $1.000000000e+00, v52;
	_ =	sdelay $0x1  }
0x12d: {  	v0 =	vadd.f32 v0, v0;
	(erf) = vrcp.f32 v6  }
0x12e: {  	v8 =	vadd.f32 v8, v8  }
0x12f: {  	v0 =	vsub.f32 $1.000000000e+00, v0;
	v4 =	vadd.f32 v58, v58  }
0x130: {  	v55 =	vsub.f32 $1.000000000e+00, v8;
	v56 =	vadd.f32 v23, v23  }
0x131: {  	[tilespmem:s5+$0x13AC0] =	vst v0;
	v4 =	vsub.f32 $1.000000000e+00, v4;
	v2 =	vadd.f32 v35, v35  }
0x132: {  	v53 =	vadd.f32 v14, v14;
	[tilespmem:s3+$0x13AC0] =	vst v55;
	v57 =	vsub.f32 $1.000000000e+00, v56  }
0x133: {  	[tilespmem:s6+$0x13AC0] =	vst v4;
	v2 =	vsub.f32 $1.000000000e+00, v2;
	v5 =	vadd.f32 v42, v42  }
0x134: {  	[tilespmem:s12+$0x13AC0] =	vst v57;
	v7 =	vsub.f32 $1.000000000e+00, v53;
	v3 =	vadd.f32 v49, v49  }
0x135: {  	[tilespmem:s13+$0x13AC0] =	vst v2;
	v58 =	vsub.f32 $1.000000000e+00, v5;
	v1 =	vadd.f32 v51, v51  }
0x136: {  	v54 =	vadd.f32 v10, v10;
	[tilespmem:s0+$0x13AC0] =	vst v7;
	v60 =	vsub.f32 $1.000000000e+00, v3;
	v59 =	vpop (erf)  }
0x137: {  	[tilespmem:s18+$0x13AC0] =	vst v58;
	v62 =	vsub.f32 $1.000000000e+00, v1;
	v61 =	vadd.f32 v59, v59  }
0x138: {  	[tilespmem:s14+$0x13AC0] =	vst v60;
	v6 =	vsub.f32 $1.000000000e+00, v54  }
0x139: {  	[tilespmem:s15+$0x13AC0] =	vst v62;
	v63 =	vsub.f32 $1.000000000e+00, v61  }
0x13a: {  	s5 =	sadd.s32 $0x0, s7;
	[tilespmem:s1+$0x13AC0] =	vst v6  }
0x13b: {  	s3 =	simm.s32 $0xEC40;
	s0 =	simm.s32 $0xEB40;
	s1 =	simm.s32 $0x20;
	[tilespmem:s19+$0x13AC0] =	vst v63  }
.LBB2_4:
0x13c: {  	[hbm4b:s5+s2] =	stream.linear.scatter [tilespmem:s0], [sflag:$0x2], $0x80, $0x38;
	[tilespmem:$0x18940] =	vst v63  }
0x13d: {  	s5 =	smov.u32 s1;
	s0 =	smov.u32 s3;
	p0 =	sne.s32 s1, $0x4C0  }
.Ltmp1:
0x13e: {  	s1 =	sadd.s32 $0x20, s1;
	(pc) =	sbr.rel @p0 .LBB2_4-.Ltmp1, $2  }
0x13f: {  	_ =	sdelay $0x2  }
0x140: {  	s3 =	sadd.s32 $0x100, s3;
	s5 =	sadd.s32 s5, s7  }
0x141: {  	[hbm4b:s5+s2] =	stream.linear.scatter [tilespmem:s0], [sflag:$0x2], $0x80, $0x38;
	[tilespmem:$0x18940] =	vst v63  }
0x142: {  	s0 =	simm.s32 $0xEBC0  }
0x143: {  	s1 =	simm.s32 $0x20;
	s5 =	sadd.s32 $0x0, s8;
	s3 =	simm.s32 $0xECC0  }
.LBB2_6:
0x144: {  	[hbm4b:s5+s2] =	stream.linear.scatter [tilespmem:s0], [sflag:$0x2], $0x80, $0x38;
	[tilespmem:$0x18940] =	vst v63  }
0x145: {  	s5 =	smov.u32 s1;
	s0 =	smov.u32 s3;
	p0 =	sne.s32 s1, $0x4C0  }
.Ltmp2:
0x146: {  	s1 =	sadd.s32 $0x20, s1;
	(pc) =	sbr.rel @p0 .LBB2_6-.Ltmp2, $2  }
0x147: {  	_ =	sdelay $0x2  }
0x148: {  	s3 =	sadd.s32 $0x100, s3;
	s5 =	sadd.s32 s5, s8  }
0x149: {  	[hbm4b:s5+s2] =	stream.linear.scatter [tilespmem:s0], [sflag:$0x2], $0x80, $0x38;
	[tilespmem:$0x18940] =	vst v63  }
0x14a: {  	s0 =	simm.s32 $0x13A40  }
0x14b: {  	s1 =	simm.s32 $0x20;
	s5 =	sadd.s32 $0x0, s9;
	s3 =	simm.s32 $0x13B40  }
.LBB2_8:
0x14c: {  	[hbm4b:s5+s2] =	stream.linear.scatter [tilespmem:s0], [sflag:$0x2], $0x80, $0x38;
	[tilespmem:$0x18940] =	vst v63  }
0x14d: {  	s5 =	smov.u32 s1;
	s0 =	smov.u32 s3;
	p0 =	sne.s32 s1, $0x4C0  }
.Ltmp3:
0x14e: {  	s1 =	sadd.s32 $0x20, s1;
	(pc) =	sbr.rel @p0 .LBB2_8-.Ltmp3, $2  }
0x14f: {  	_ =	sdelay $0x2  }
0x150: {  	s3 =	sadd.s32 $0x100, s3;
	s5 =	sadd.s32 s5, s9  }
0x151: {  	[hbm4b:s5+s2] =	stream.linear.scatter [tilespmem:s0], [sflag:$0x2], $0x80, $0x38;
	[tilespmem:$0x18940] =	vst v63  }
0x152: {  	s0 =	simm.s32 $0x0;
	s1 =	simm.s32 $0x13AC0  }
.LBB2_10:
0x153: {  	p0 =	seq.s32 s0, $0x4C0  }
.Ltmp4:
0x154: {  	_ = 	snop;
	(pc) =	sbr.rel @!p0 .LBB2_10-.Ltmp4, $4  }
0x155: {  	_ = 	snop  }
0x156: {  	s3 =	sadd.s32 s0, s10  }
0x157: {  	[hbm4b:s3+s2] =	stream.linear.scatter [tilespmem:s1], [sflag:$0x2], $0x80, $0x38;
	[tilespmem:$0x18940] =	vst v63  }
0x158: {  	s0 =	sadd.s32 $0x20, s0;
	s1 =	sadd.s32 $0x100, s1  }
0x159: {  	s0 =	simm.s32 $0x2700;
	s1 =	simm.s32 $0x1380  }
0x15a: {  	s1 =	sand.u32 $0x70, s1;
	s0 =	sand.u32 $0xFFFFFF00, s0  }
0x15b: {  	s3 =	sor.u32 s1, s0  }
0x15c: {  	v2 =	vld [tilespmem:s3+$0x9C40];
	_ =	sdelay $0x1  }
0x15d: {  	p5 =	por $0x0, $0x0  }
0x15e: {  	p6 =	seq.s32 s4, $0x2720;
	s5 =	simm.s32 @!p5 $0x0  }
.Ltmp5:
0x15f: {  	s5 =	simm.s32 @p5 $0x1;
	p5 =	por $0x0, $0x0;
	(pc) =	sbr.rel @p6 .LBB2_12-.Ltmp5, $4  }
0x160: {  	v3 =	vld [tilespmem:s3+$0x9CC0];
	[smem:$0x7FC] =	sst s5;
	s5 =	simm.s32 @!p5 $0x0  }
0x161: {  	s5 =	simm.s32 @p5 $0x1  }
0x162: {  	[smem:$0x7FD] =	sst s5  }
0x163: {  	s0 =	simm.s32 $0x2720;
	s1 =	simm.s32 $0x1390;
	v9 =	vld.idx.msk [tilespmem:v2+s2+$0x0], $0xffff  }
0x164: {  	_ =	sdelay $0x4  }
0x165: {  	v0 =	vld.idx.msk [tilespmem:v3+s2+$0x0], $0xffff  }
0x166: {  	s1 =	sand.u32 $0x70, s1;
	s0 =	sand.u32 $0xFFFFFF00, s0  }
0x167: {  	s1 =	sor.u32 s1, s0  }
0x168: {  	v7 =	vld [tilespmem:s1+$0x9C40];
	_ =	sdelay $0x1  }
0x169: {  	v0 =	vadd.f32 v0, v9  }
0x16a: {  	p6 =	seq.s32 s4, $0x2740  }
.Ltmp6:
0x16b: {  	v0 =	vadd.f32 v0, v0;
	(pc) =	sbr.rel @p6 .LBB2_14-.Ltmp6, $4  }
0x16c: {  	_ = 	snop  }
0x16d: {  	v0 =	vmul.f32 $1.442695020e+00, v0  }
0x16e: {  	v6 =	vld [tilespmem:s1+$0x9CC0]  }
0x16f: {  	s5 =	simm.s32 $0x13A0;
	s0 =	simm.s32 $0x2740;
	v9 =	vld.idx.msk [tilespmem:v7+s2+$0x0], $0xffff;
	(erf) = vpow2.f32 v0  }
0x170: {  	_ =	sdelay $0x6  }
0x171: {  	v0 =	vld.idx.msk [tilespmem:v6+s2+$0x0], $0xffff  }
0x172: {  	s5 =	sand.u32 $0x70, s5;
	s0 =	sand.u32 $0xFFFFFF00, s0  }
0x173: {  	s26 =	sor.u32 s5, s0  }
0x174: {  	v8 =	vld [tilespmem:s26+$0x9C40];
	_ =	sdelay $0x1  }
0x175: {  	v0 =	vadd.f32 v0, v9  }
0x176: {  	p6 =	seq.s32 s4, $0x2760  }
.Ltmp7:
0x177: {  	v1 =	vpop (erf);
	v0 =	vadd.f32 v0, v0;
	(pc) =	sbr.rel @p6 .LBB2_16-.Ltmp7, $4  }
0x178: {  	v1 =	vadd.f32 $1.000000000e+00, v1  }
0x179: {  	v0 =	vmul.f32 $1.442695020e+00, v0  }
0x17a: {  	v4 =	vld [tilespmem:s26+$0x9CC0];
	(erf) = vrcp.f32 v1  }
0x17b: {  	s0 =	simm.s32 $0x2760;
	s5 =	simm.s32 $0x13B0;
	v9 =	vld.idx.msk [tilespmem:v8+s2+$0x0], $0xffff;
	(erf) = vpow2.f32 v0  }
0x17c: {  	_ =	sdelay $0x5  }
0x17d: {  	s5 =	sand.u32 $0x70, s5;
	s0 =	sand.u32 $0xFFFFFF00, s0  }
0x17e: {  	s14 =	sor.u32 s5, s0;
	v0 =	vld.idx.msk [tilespmem:v4+s2+$0x0], $0xffff  }
0x17f: {  	v10 =	vld [tilespmem:s14+$0x9C40];
	_ =	sdelay $0x2  }
0x180: {  	v1 =	vpop (erf)  }
0x181: {  	v11 =	vadd.s32 $0x2710, v2;
	v0 =	vadd.f32 v0, v9;
	v1 =	vadd.f32 v1, v1  }
0x182: {  	v12 =	vadd.s32 $0x2710, v3;
	p6 =	seq.s32 s4, $0x2780  }
.Ltmp8:
0x183: {  	v9 =	vpop (erf);
	v0 =	vadd.f32 v0, v0;
	v1 =	vsub.f32 $1.000000000e+00, v1;
	(pc) =	sbr.rel @p6 .LBB2_18-.Ltmp8, $4  }
0x184: {  	v5 =	vld [tilespmem:s14+$0x9CC0];
	v13 =	vadd.f32 $1.000000000e+00, v9  }
0x185: {  	v9 =	vld.idx.msk [tilespmem:v10+s2+$0x0], $0xffff;
	[tilespmem:s3+$0xEB40] =	vst v1;
	v0 =	vmul.f32 $1.442695020e+00, v0  }
0x186: {  	(erf) = vrcp.f32 v13;
	v21 =	vld.idx.msk [tilespmem:v11+s2+$0x0], $0xffff  }
0x187: {  	s0 =	simm.s32 $0x2780;
	s5 =	simm.s32 $0x13C0;
	v27 =	vld.idx.msk [tilespmem:v12+s2+$0x0], $0xffff;
	(erf) = vpow2.f32 v0  }
0x188: {  	_ =	sdelay $0x4  }
0x189: {  	s5 =	sand.u32 $0x70, s5;
	s0 =	sand.u32 $0xFFFFFF00, s0;
	v0 =	vld.idx.msk [tilespmem:v5+s2+$0x0], $0xffff  }
0x18a: {  	s12 =	sor.u32 s5, s0  }
0x18b: {  	v13 =	vld [tilespmem:s12+$0x9C40];
	_ =	sdelay $0x1  }
0x18c: {  	v1 =	vadd.f32 v27, v21  }
0x18d: {  	v0 =	vadd.f32 v0, v9;
	v9 =	vpop (erf)  }
0x18e: {  	v11 =	vadd.s32 $0x2710, v7;
	v1 =	vadd.f32 v1, v1;
	v9 =	vadd.f32 v9, v9  }
0x18f: {  	v14 =	vadd.s32 $0x2710, v6;
	p6 =	seq.s32 s4, $0x27A0  }
.Ltmp9:
0x190: {  	v0 =	vadd.f32 v0, v0;
	v15 =	vpop (erf);
	v1 =	vmul.f32 $1.442695020e+00, v1;
	v9 =	vsub.f32 $1.000000000e+00, v9;
	(pc) =	sbr.rel @p6 .LBB2_20-.Ltmp9, $4  }
0x191: {  	v12 =	vld [tilespmem:s12+$0x9CC0];
	v15 =	vadd.f32 $1.000000000e+00, v15  }
0x192: {  	(erf) = vpow2.f32 v1;
	v0 =	vmul.f32 $1.442695020e+00, v0;
	[tilespmem:s1+$0xEB40] =	vst v9;
	v9 =	vld.idx.msk [tilespmem:v13+s2+$0x0], $0xffff  }
0x193: {  	(erf) = vrcp.f32 v15;
	v21 =	vld.idx.msk [tilespmem:v11+s2+$0x0], $0xffff  }
0x194: {  	s0 =	simm.s32 $0x27A0;
	s5 =	simm.s32 $0x13D0;
	(erf) = vpow2.f32 v0;
	v27 =	vld.idx.msk [tilespmem:v14+s2+$0x0], $0xffff  }
0x195: {  	_ = 	snop  }
0x196: {  	p4 =	por $0x0, $0x0  }
0x197: {  	s6 =	simm.s32 @!p4 $0x0  }
0x198: {  	s6 =	simm.s32 @p4 $0x1  }
0x199: {  	[smem:$0x7FB] =	sst s6  }
0x19a: {  	s5 =	sand.u32 $0x70, s5;
	s0 =	sand.u32 $0xFFFFFF00, s0;
	v0 =	vld.idx.msk [tilespmem:v12+s2+$0x0], $0xffff  }
0x19b: {  	s28 =	sor.u32 s5, s0  }
0x19c: {  	v17 =	vld [tilespmem:s28+$0x9C40];
	_ =	sdelay $0x1  }
0x19d: {  	v1 =	vadd.f32 v27, v21;
	v11 =	vpop (erf)  }
0x19e: {  	v0 =	vadd.f32 v0, v9;
	v9 =	vpop (erf)  }
0x19f: {  	v14 =	vadd.s32 $0x2710, v8;
	v1 =	vadd.f32 v1, v1;
	v9 =	vadd.f32 v9, v9  }
0x1a0: {  	v16 =	vadd.s32 $0x2710, v4;
	p6 =	seq.s32 s4, $0x27C0;
	v15 =	vadd.f32 $1.000000000e+00, v11  }
.Ltmp10:
0x1a1: {  	v1 =	vmul.f32 $1.442695020e+00, v1;
	v18 =	vpop (erf);
	v0 =	vadd.f32 v0, v0;
	v9 =	vsub.f32 $1.000000000e+00, v9;
	(pc) =	sbr.rel @p6 .LBB2_22-.Ltmp10, $4  }
0x1a2: {  	v11 =	vld [tilespmem:s28+$0x9CC0];
	(erf) = vrcp.f32 v15;
	v15 =	vadd.f32 $1.000000000e+00, v18  }
0x1a3: {  	(erf) = vpow2.f32 v1;
	v0 =	vmul.f32 $1.442695020e+00, v0;
	[tilespmem:s26+$0xEB40] =	vst v9;
	v9 =	vld.idx.msk [tilespmem:v17+s2+$0x0], $0xffff  }
0x1a4: {  	(erf) = vrcp.f32 v15;
	v21 =	vld.idx.msk [tilespmem:v14+s2+$0x0], $0xffff  }
0x1a5: {  	s0 =	simm.s32 $0x27C0;
	s5 =	simm.s32 $0x13E0;
	(erf) = vpow2.f32 v0;
	v27 =	vld.idx.msk [tilespmem:v16+s2+$0x0], $0xffff  }
0x1a6: {  	_ =	sdelay $0x4  }
0x1a7: {  	s5 =	sand.u32 $0x70, s5;
	s0 =	sand.u32 $0xFFFFFF00, s0;
	v0 =	vld.idx.msk [tilespmem:v11+s2+$0x0], $0xffff  }
0x1a8: {  	s6 =	sor.u32 s5, s0;
	v1 =	vpop (erf)  }
0x1a9: {  	v20 =	vld [tilespmem:s6+$0x9C40];
	v1 =	vadd.f32 v1, v1  }
0x1aa: {  	v14 =	vadd.s32 $0x4E20, v2  }
0x1ab: {  	v16 =	vadd.s32 $0x4E20, v3;
	v15 =	vadd.f32 v27, v21;
	v18 =	vpop (erf);
	v1 =	vsub.f32 $1.000000000e+00, v1  }
0x1ac: {  	v0 =	vadd.f32 v0, v9;
	v9 =	vpop (erf)  }
0x1ad: {  	v19 =	vadd.s32 $0x2710, v10;
	v21 =	vadd.f32 v15, v15;
	v9 =	vadd.f32 v9, v9  }
0x1ae: {  	v23 =	vadd.s32 $0x2710, v5;
	p6 =	seq.s32 s4, $0x27E0;
	v22 =	vadd.f32 $1.000000000e+00, v18;
	v18 =	vld [tilespmem:s6+$0x9CC0];
	[tilespmem:s3+$0xEBC0] =	vst v1  }
.Ltmp11:
0x1af: {  	v0 =	vadd.f32 v0, v0;
	v9 =	vsub.f32 $1.000000000e+00, v9;
	v62 =	vld.idx.msk [tilespmem:v14+s2+$0x0], $0xffff;
	v14 =	vmul.f32 $1.442695020e+00, v21;
	v1 =	vpop (erf);
	(pc) =	sbr.rel @p6 .LBB2_24-.Ltmp11, $4  }
0x1b0: {  	p5 =	por $0x1, $0x1;
	(erf) = vrcp.f32 v22;
	v63 =	vld.idx.msk [tilespmem:v16+s2+$0x0], $0xffff;
	v1 =	vadd.f32 $1.000000000e+00, v1  }
0x1b1: {  	s11 =	simm.s32 @!p5 $0x0;
	v0 =	vmul.f32 $1.442695020e+00, v0;
	[tilespmem:s14+$0xEB40] =	vst v9;
	v9 =	vld.idx.msk [tilespmem:v20+s2+$0x0], $0xffff;
	(erf) = vpow2.f32 v14  }
0x1b2: {  	s11 =	simm.s32 @p5 $0x1;
	v21 =	vld.idx.msk [tilespmem:v19+s2+$0x0], $0xffff;
	(erf) = vrcp.f32 v1  }
0x1b3: {  	s0 =	simm.s32 $0x27E0;
	s5 =	simm.s32 $0x13F0;
	v27 =	vld.idx.msk [tilespmem:v23+s2+$0x0], $0xffff;
	[smem:$0x7FC] =	sst s11;
	(erf) = vpow2.f32 v0  }
0x1b4: {  	_ =	sdelay $0x3  }
0x1b5: {  	s5 =	sand.u32 $0x70, s5;
	s0 =	sand.u32 $0xFFFFFF00, s0;
	v0 =	vld.idx.msk [tilespmem:v18+s2+$0x0], $0xffff  }
0x1b6: {  	v1 =	vadd.f32 v63, v62;
	s5 =	sor.u32 s5, s0;
	v14 =	vpop (erf)  }
0x1b7: {  	v22 =	vld [tilespmem:s5+$0x9C40];
	v14 =	vadd.f32 v14, v14  }
0x1b8: {  	v19 =	vadd.s32 $0x4E20, v7;
	v1 =	vadd.f32 v1, v1  }
0x1b9: {  	v24 =	vadd.s32 $0x4E20, v6;
	v21 =	vadd.f32 v27, v21;
	v23 =	vpop (erf);
	v14 =	vsub.f32 $1.000000000e+00, v14  }
0x1ba: {  	v1 =	vmul.f32 $1.442695020e+00, v1;
	v0 =	vadd.f32 v0, v9;
	v9 =	vpop (erf)  }
0x1bb: {  	v26 =	vadd.s32 $0x2710, v13;
	v21 =	vadd.f32 v21, v21;
	v9 =	vadd.f32 v9, v9  }
0x1bc: {  	p6 =	seq.s32 s4, $0x2800;
	v33 =	vld [tilespmem:s5+$0x9CC0];
	v25 =	vadd.f32 $1.000000000e+00, v23;
	(erf) = vpow2.f32 v1;
	v1 =	vadd.s32 $0x2710, v12;
	[tilespmem:s1+$0xEBC0] =	vst v14  }
.Ltmp12:
0x1bd: {  	v0 =	vadd.f32 v0, v0;
	v9 =	vsub.f32 $1.000000000e+00, v9;
	v23 =	vld.idx.msk [tilespmem:v19+s2+$0x0], $0xffff;
	v19 =	vmul.f32 $1.442695020e+00, v21;
	v14 =	vpop (erf);
	(pc) =	sbr.rel @p6 .LBB2_26-.Ltmp12, $4  }
0x1be: {  	p5 =	por $0x1, $0x1;
	(erf) = vrcp.f32 v25;
	v25 =	vld.idx.msk [tilespmem:v24+s2+$0x0], $0xffff;
	v14 =	vadd.f32 $1.000000000e+00, v14  }
0x1bf: {  	s11 =	simm.s32 @!p5 $0x0;
	v0 =	vmul.f32 $1.442695020e+00, v0;
	[tilespmem:s12+$0xEB40] =	vst v9;
	v9 =	vld.idx.msk [tilespmem:v22+s2+$0x0], $0xffff;
	(erf) = vpow2.f32 v19  }
0x1c0: {  	s13 =	simm.s32 $0x1400;
	s11 =	simm.s32 @p5 $0x1;
	v21 =	vld.idx.msk [tilespmem:v26+s2+$0x0], $0xffff;
	(erf) = vrcp.f32 v14  }
0x1c1: {  	p0 =	por $0x0, $0x0;
	s0 =	simm.s32 $0x2800;
	v27 =	vld.idx.msk [tilespmem:v1+s2+$0x0], $0xffff;
	[smem:$0x7FD] =	sst s11;
	(erf) = vpow2.f32 v0  }
0x1c2: {  	s11 =	simm.s32 @!p0 $0x0  }
0x1c3: {  	s11 =	simm.s32 @p0 $0x1;
	p0 =	por $0x1, $0x1  }
0x1c4: {  	[smem:$0x7F5] =	sst s11;
	s11 =	simm.s32 @!p0 $0x0  }
0x1c5: {  	s11 =	simm.s32 @p0 $0x1;
	p0 =	por $0x1, $0x1  }
0x1c6: {  	[smem:$0x7F6] =	sst s11;
	s11 =	simm.s32 @!p0 $0x0  }
0x1c7: {  	p1 =	por $0x1, $0x1;
	s11 =	simm.s32 @p0 $0x1  }
0x1c8: {  	[smem:$0x7F7] =	sst s11;
	s11 =	simm.s32 @!p1 $0x0  }
0x1c9: {  	p2 =	por $0x1, $0x1;
	s11 =	simm.s32 @p1 $0x1  }
0x1ca: {  	[smem:$0x7F8] =	sst s11;
	s11 =	simm.s32 @!p2 $0x0  }
0x1cb: {  	s11 =	simm.s32 @p2 $0x1  }
0x1cc: {  	v0 =	vpop (erf);
	[smem:$0x7F9] =	sst s11  }
0x1cd: {  	s13 =	sand.u32 $0x70, s13;
	s0 =	sand.u32 $0xFFFFFF00, s0;
	v0 =	vadd.f32 $1.000000000e+00, v0;
	v1 =	vld.idx.msk [tilespmem:v33+s2+$0x0], $0xffff  }
0x1ce: {  	v14 =	vadd.f32 v25, v23;
	s13 =	sor.u32 s13, s0;
	v19 =	vpop (erf)  }
0x1cf: {  	(erf) = vrcp.f32 v0;
	v19 =	vadd.f32 v19, v19;
	v0 =	vld [tilespmem:s13+$0x9C40]  }
0x1d0: {  	v24 =	vadd.s32 $0x4E20, v8;
	v14 =	vadd.f32 v14, v14;
	v21 =	vadd.f32 v27, v21  }
0x1d1: {  	v26 =	vadd.s32 $0x4E20, v4;
	v27 =	vpop (erf);
	v19 =	vsub.f32 $1.000000000e+00, v19  }
0x1d2: {  	v14 =	vmul.f32 $1.442695020e+00, v14;
	v21 =	vadd.f32 v21, v21;
	v1 =	vadd.f32 v1, v9;
	v9 =	vpop (erf)  }
0x1d3: {  	v28 =	vadd.s32 $0x2710, v17;
	v29 =	vadd.s32 $0x2710, v11;
	v9 =	vadd.f32 v9, v9  }
0x1d4: {  	p6 =	seq.s32 s4, $0x2820;
	v27 =	vadd.f32 $1.000000000e+00, v27;
	(erf) = vpow2.f32 v14;
	v21 =	vmul.f32 $1.442695020e+00, v21;
	v14 =	vld [tilespmem:s13+$0x9CC0];
	[tilespmem:s26+$0xEBC0] =	vst v19  }
.Ltmp13:
0x1d5: {  	v41 =	vld.idx.msk [tilespmem:v24+s2+$0x0], $0xffff;
	v19 =	vpop (erf);
	v1 =	vadd.f32 v1, v1;
	v9 =	vsub.f32 $1.000000000e+00, v9;
	(pc) =	sbr.rel @p6 .LBB2_28-.Ltmp13, $4  }
0x1d6: {  	(erf) = vrcp.f32 v27;
	v42 =	vld.idx.msk [tilespmem:v26+s2+$0x0], $0xffff;
	v19 =	vadd.f32 $1.000000000e+00, v19  }
0x1d7: {  	(erf) = vpow2.f32 v21;
	v1 =	vmul.f32 $1.442695020e+00, v1;
	[tilespmem:s28+$0xEB40] =	vst v9;
	v9 =	vld.idx.msk [tilespmem:v0+s2+$0x0], $0xffff  }
0x1d8: {  	v47 =	vadd.s32 $0x7530, v2;
	s15 =	simm.s32 $0x1410;
	v21 =	vpop (erf);
	(erf) = vrcp.f32 v19;
	v44 =	vld.idx.msk [tilespmem:v28+s2+$0x0], $0xffff  }
0x1d9: {  	v48 =	vadd.s32 $0x7530, v3;
	p3 =	por $0x1, $0x1;
	s0 =	simm.s32 $0x2820;
	v43 =	vadd.f32 v21, v21;
	(erf) = vpow2.f32 v1;
	v45 =	vld.idx.msk [tilespmem:v29+s2+$0x0], $0xffff;
	[dreg:$0xe] =	wrdreg s28  }
0x1da: {  	_ = 	snop  }
0x1db: {  	s11 =	simm.s32 @!p3 $0x0  }
0x1dc: {  	s11 =	simm.s32 @p3 $0x1  }
0x1dd: {  	[smem:$0x7FA] =	sst s11;
	v1 =	vpop (erf)  }
0x1de: {  	s15 =	sand.u32 $0x70, s15;
	s0 =	sand.u32 $0xFFFFFF00, s0;
	v19 =	vsub.f32 $1.000000000e+00, v43;
	v21 =	vld.idx.msk [tilespmem:v14+s2+$0x0], $0xffff;
	v1 =	vadd.f32 $1.000000000e+00, v1  }
0x1df: {  	s15 =	sor.u32 s15, s0;
	v24 =	vadd.f32 v42, v41;
	v26 =	vpop (erf)  }
0x1e0: {  	v60 =	vld [tilespmem:s15+$0x9C40];
	[tilespmem:s3+$0x13A40] =	vst v19;
	(erf) = vrcp.f32 v1;
	v1 =	vadd.f32 v26, v26;
	v26 =	vadd.s32 $0x4E20, v10  }
0x1e1: {  	v28 =	vadd.s32 $0x4E20, v5;
	v24 =	vadd.f32 v24, v24;
	v19 =	vld.idx.msk [tilespmem:v47+s2+$0x0], $0xffff  }
0x1e2: {  	v27 =	vld.idx.msk [tilespmem:v48+s2+$0x0], $0xffff;
	v30 =	vpop (erf);
	v1 =	vsub.f32 $1.000000000e+00, v1  }
0x1e3: {  	v29 =	vadd.f32 v45, v44;
	v24 =	vmul.f32 $1.442695020e+00, v24;
	v9 =	vadd.f32 v21, v9;
	v21 =	vpop (erf)  }
0x1e4: {  	v31 =	vadd.s32 $0x2710, v20;
	v21 =	vadd.f32 v21, v21;
	[tilespmem:s14+$0xEBC0] =	vst v1  }
0x1e5: {  	v29 =	vadd.f32 v29, v29;
	(erf) = vpow2.f32 v24;
	v24 =	vadd.s32 $0x2710, v18;
	v32 =	vld.idx.msk [tilespmem:v26+s2+$0x0], $0xffff  }
0x1e6: {  	p6 =	seq.s32 s4, $0x2840;
	v30 =	vadd.f32 $1.000000000e+00, v30;
	v21 =	vsub.f32 $1.000000000e+00, v21;
	v34 =	vld.idx.msk [tilespmem:v28+s2+$0x0], $0xffff  }
.Ltmp14:
0x1e7: {  	v61 =	vld [tilespmem:s15+$0x9CC0];
	v19 =	vadd.f32 v27, v19;
	v1 =	vadd.f32 v9, v9;
	v26 =	vmul.f32 $1.442695020e+00, v29;
	v9 =	vpop (erf);
	(pc) =	sbr.rel @p6 .LBB2_30-.Ltmp14, $4  }
0x1e8: {  	(erf) = vrcp.f32 v30;
	v27 =	vadd.f32 $1.000000000e+00, v9;
	[tilespmem:s6+$0xEB40] =	vst v21;
	v9 =	vld.idx.msk [tilespmem:v60+s2+$0x0], $0xffff  }
0x1e9: {  	v19 =	vadd.f32 v19, v19;
	v1 =	vmul.f32 $1.442695020e+00, v1;
	(erf) = vpow2.f32 v26;
	v56 =	vld.idx.msk [tilespmem:v31+s2+$0x0], $0xffff  }
0x1ea: {  	v57 =	vadd.s32 $0x7530, v7;
	v59 =	vadd.s32 $0x7530, v6;
	v58 =	vld.idx.msk [tilespmem:v24+s2+$0x0], $0xffff;
	v21 =	vpop (erf);
	(erf) = vrcp.f32 v27;
	[tilespmem:$0x1FFE0] =	vst v32  }
0x1eb: {  	s16 =	simm.s32 $0x1420;
	p0 =	por $0x1, $0x1;
	s0 =	simm.s32 $0x2840;
	v52 =	vmul.f32 $1.442695020e+00, v19;
	v40 =	vadd.f32 v21, v21;
	(erf) = vpow2.f32 v1;
	[tilespmem:$0x1FFF0] =	vst v34  }
0x1ec: {  	p4 =	por $0x1, $0x1  }
0x1ed: {  	s11 =	simm.s32 @!p4 $0x0  }
0x1ee: {  	v21 =	vsub.f32 $1.000000000e+00, v40;
	s11 =	simm.s32 @p4 $0x1;
	v1 =	vpop (erf)  }
0x1ef: {  	v24 =	vadd.f32 v34, v32;
	[smem:$0x7FB] =	sst s11;
	v1 =	vadd.f32 $1.000000000e+00, v1  }
0x1f0: {  	(erf) = vpow2.f32 v52;
	v19 =	vld.idx.msk [tilespmem:v61+s2+$0x0], $0xffff;
	[tilespmem:s1+$0x13A40] =	vst v21  }
0x1f1: {  	(erf) = vrcp.f32 v1;
	v1 =	vadd.f32 v24, v24;
	v24 =	vld.idx.msk [tilespmem:v57+s2+$0x0], $0xffff  }
0x1f2: {  	s16 =	sand.u32 $0x70, s16;
	s0 =	sand.u32 $0xFFFFFF00, s0;
	v26 =	vpop (erf);
	v28 =	vld.idx.msk [tilespmem:v59+s2+$0x0], $0xffff  }
0x1f3: {  	s23 =	sor.u32 s16, s0;
	v29 =	vadd.f32 v58, v56;
	v21 =	vadd.f32 v26, v26;
	v26 =	vadd.s32 $0x4E20, v13  }
0x1f4: {  	v36 =	vmov v23;
	v23 =	vmov v62;
	v62 =	vld [tilespmem:s23+$0x9C40];
	v30 =	vpop (erf);
	v1 =	vmul.f32 $1.442695020e+00, v1  }
0x1f5: {  	v27 =	vadd.s32 $0x4E20, v12;
	v29 =	vadd.f32 v29, v29;
	v31 =	vpop (erf);
	v21 =	vsub.f32 $1.000000000e+00, v21  }
0x1f6: {  	v31 =	vadd.f32 v31, v31;
	v9 =	vadd.f32 v19, v9;
	(erf) = vpow2.f32 v1  }
0x1f7: {  	v35 =	vadd.s32 $0x2710, v33;
	v30 =	vadd.f32 $1.000000000e+00, v30;
	v1 =	vld [tilespmem:s23+$0x9CC0];
	[tilespmem:s12+$0xEBC0] =	vst v21;
	v24 =	vadd.f32 v28, v24  }
0x1f8: {  	v38 =	vmovc v25;
	v25 =	vmovc v63;
	v19 =	vadd.s32 $0x2710, v22;
	v21 =	vadd.f32 v9, v9;
	v32 =	vld.idx.msk [tilespmem:v26+s2+$0x0], $0xffff;
	v26 =	vsub.f32 $1.000000000e+00, v31  }
0x1f9: {  	s18 =	smov.u32 s21;
	p6 =	seq.s32 s4, $0x2860;
	v53 =	vadd.s32 $0x7530, v8;
	v63 =	vpop (erf);
	(erf) = vrcp.f32 v30;
	v9 =	vmul.f32 $1.442695020e+00, v29  }
.Ltmp15:
0x1fa: {  	s21 =	smov.u32 s22;
	s17 =	simm.s32 $0x2860;
	v37 =	vadd.f32 $1.000000000e+00, v63;
	v28 =	vpop (erf);
	v34 =	vld.idx.msk [tilespmem:v27+s2+$0x0], $0xffff;
	v24 =	vadd.f32 v24, v24;
	[tilespmem:s5+$0xEB40] =	vst v26;
	v26 =	vmul.f32 $1.442695020e+00, v21;
	(pc) =	sbr.rel @p6 .LBB2_32-.Ltmp15, $4  }
0x1fb: {  	s20 =	simm.s32 $0x1430;
	v54 =	vadd.s32 $0x7530, v4;
	p1 =	por $0x1, $0x1;
	s19 =	smov.u32 s6;
	v55 =	vmovc v10;
	v51 =	vmovc v13;
	v27 =	vadd.f32 $1.000000000e+00, v28;
	(erf) = vpow2.f32 v9  }
0x1fc: {  	s25 =	smov.u32 s5;
	s30 =	smov.u32 s26;
	v50 =	vmov v20;
	s0 =	simm.s32 @!p1 $0x0;
	v30 =	vmov v18;
	v9 =	vld.idx.msk [tilespmem:v62+s2+$0x0], $0xffff;
	(erf) = vrcp.f32 v37;
	v28 =	vpop (erf)  }
0x1fd: {  	s31 =	smov.u32 s3;
	s24 =	smov.u32 s1;
	s0 =	simm.s32 @p1 $0x1;
	v31 =	vmovc v12;
	v21 =	vld.idx.msk [tilespmem:v19+s2+$0x0], $0xffff;
	v49 =	vmul.f32 $1.442695020e+00, v24;
	v19 =	vmovc v22;
	v39 =	vadd.f32 v28, v28;
	(erf) = vrcp.f32 v27  }
0x1fe: {  	s29 =	smov.u32 s14;
	v37 =	vmovc v11;
	v27 =	vld.idx.msk [tilespmem:v35+s2+$0x0], $0xffff;
	[smem:$0x7F5] =	sst s0;
	v28 =	vmovc v5;
	s0 =	smov.u32 s12;
	(erf) = vpow2.f32 v26;
	v24 =	vmov v33;
	v26 =	vmov v17  }
.LBB2_33:
0x1ff: {  	s11 =	sand.u32 $0x70, s20;
	s22 =	sand.u32 $0xFFFFFF00, s17;
	v29 =	vld.idx.msk [tilespmem:v1+s2+$0x0], $0xffff;
	v32 =	vadd.f32 v34, v32;
	v34 =	vpop (erf);
	v35 =	vsub.f32 $1.000000000e+00, v39;
	v46 =	vmov v19  }
0x200: {  	v19 =	vmovc v0;
	v0 =	vmovc v60;
	v60 =	vmov v62;
	v63 =	vmov v28;
	v28 =	vmov v31;
	s16 =	smov.u32 s19;
	s19 =	smov.u32 s25;
	s25 =	smov.u32 s13  }
0x201: {  	v31 =	vmovc v37;
	v37 =	vmovc v30;
	v30 =	vmov v24;
	s13 =	smov.u32 s15;
	s15 =	smov.u32 s23;
	v34 =	vadd.f32 $1.000000000e+00, v34;
	(erf) = vpow2.f32 v49;
	s23 =	sor.u32 s11, s22  }
0x202: {  	v24 =	vmov v14;
	v14 =	vmov v61;
	v62 =	vld [tilespmem:s23+$0x9C40];
	v39 =	vpop (erf);
	v32 =	vadd.f32 v32, v32;
	[tilespmem:s30+$0x13A40] =	vst v35  }
0x203: {  	v61 =	vmovc v1;
	v35 =	vadd.f32 v39, v39;
	v39 =	vadd.s32 $0x4E20, v26;
	(erf) = vrcp.f32 v34;
	v49 =	vld.idx.msk [tilespmem:v53+s2+$0x0], $0xffff  }
0x204: {  	v34 =	vadd.s32 $0x4E20, v31;
	v1 =	vmul.f32 $1.442695020e+00, v32;
	v53 =	vld.idx.msk [tilespmem:v54+s2+$0x0], $0xffff;
	v9 =	vadd.f32 v29, v9  }
0x205: {  	v54 =	vadd.s32 $0x2710, v19;
	v21 =	vadd.f32 v27, v21;
	v27 =	vpop (erf);
	v32 =	vsub.f32 $1.000000000e+00, v35  }
0x206: {  	v29 =	vpop (erf);
	v27 =	vadd.f32 $1.000000000e+00, v27;
	(erf) = vpow2.f32 v1  }
0x207: {  	v35 =	vadd.s32 $0x2710, v24;
	v21 =	vadd.f32 v21, v21;
	v1 =	vld [tilespmem:s23+$0x9CC0];
	v29 =	vadd.f32 v29, v29;
	[tilespmem:s28+$0xEBC0] =	vst v32;
	v15 =	vpop (erf)  }
0x208: {  	v16 =	vadd.f32 v9, v9;
	v9 =	vpop (erf)  }
0x209: {  	s17 =	sadd.s32 $0x20, s17;
	v32 =	vld.idx.msk [tilespmem:v39+s2+$0x0], $0xffff;
	v15 =	vadd.f32 v15, v15;
	(erf) = vrcp.f32 v27;
	v27 =	vadd.f32 $1.000000000e+00, v9  }
0x20a: {  	p6 =	seq.s32 s4, s17;
	v21 =	vmul.f32 $1.442695020e+00, v21;
	v9 =	vsub.f32 $1.000000000e+00, v29;
	v34 =	vld.idx.msk [tilespmem:v34+s2+$0x0], $0xffff  }
.Ltmp16:
0x20b: {  	v29 =	vadd.f32 v53, v49;
	v15 =	vsub.f32 $1.000000000e+00, v15;
	v39 =	vpop (erf);
	(pc) =	sbr.rel @!p6 .LBB2_33-.Ltmp16, $4  }
0x20c: {  	[tilespmem:s25+$0xEB40] =	vst v9;
	(erf) = vpow2.f32 v21;
	v49 =	vadd.f32 $1.000000000e+00, v39  }
0x20d: {  	v16 =	vmul.f32 $1.442695020e+00, v16;
	v29 =	vadd.f32 v29, v29;
	v9 =	vld.idx.msk [tilespmem:v62+s2+$0x0], $0xffff;
	(erf) = vrcp.f32 v27;
	[tilespmem:s31+$0x13AC0] =	vst v15;
	s31 =	smov.u32 s24;
	s24 =	smov.u32 s30;
	v27 =	vpop (erf)  }
0x20e: {  	v53 =	vadd.s32 $0x7530, v55;
	v55 =	vmovc v51;
	v51 =	vmovc v26;
	s30 =	smov.u32 s29;
	s29 =	smov.u32 s0;
	v21 =	vld.idx.msk [tilespmem:v54+s2+$0x0], $0xffff;
	v39 =	vadd.f32 v27, v27;
	(erf) = vrcp.f32 v49  }
0x20f: {  	s20 =	sadd.s32 $0x10, s20;
	v26 =	vmovc v50;
	v50 =	vmovc v46;
	s0 =	smov.u32 s28;
	s28 =	smov.u32 s16;
	v54 =	vadd.s32 $0x7530, v63;
	v49 =	vmul.f32 $1.442695020e+00, v29;
	(erf) = vpow2.f32 v16;
	v27 =	vld.idx.msk [tilespmem:v35+s2+$0x0], $0xffff  }
0x210: {  	v35 =	vmovc v0;
	s17 =	smov.u32 s13;
	v46 =	vmov v14;
	v29 =	vmov v60;
	v0 =	vmov v62;
	s20 =	smov.u32 s15  }
0x211: {  	s13 =	smov.u32 s23;
	v14 =	vmovc v61;
	s22 =	smov.u32 s21;
	s21 =	smov.u32 s18;
	v62 =	vmovc v23;
	v63 =	vmov v25;
	v23 =	vmov v36;
	v25 =	vmov v38  }
.LBB2_35:
0x212: {  	s18 =	sld [smem:$0x7FB];
	_ =	sdelay $0x1  }
0x213: {  	s11 =	simm.s32 @!p0 $0x0;
	s16 =	sld [smem:$0x7FC]  }
0x214: {  	s11 =	simm.s32 @p0 $0x1;
	p2 =	seq.s32 s18, $0x1  }
0x215: {  	[smem:$0x7F4] =	sst s11;
	s11 =	simm.s32 @!p2 $0x0  }
0x216: {  	s15 =	sld [smem:$0x7FD];
	p3 =	seq.s32 s16, $0x1;
	s11 =	simm.s32 @p2 $0x1  }
0x217: {  	[smem:$0x7FB] =	sst s11;
	s11 =	simm.s32 @!p3 $0x0  }
0x218: {  	s23 =	sld [smem:$0x7FA];
	v16 =	vadd.f32 @p3 v34, v32;
	v32 =	vsub.f32 @p2 $1.000000000e+00, v39;
	s11 =	simm.s32 @p3 $0x1  }
0x219: {  	v34 =	vld.idx.msk [tilespmem:v1+s2+$0x0], $0xffff;
	[smem:$0x7FC] =	sst s11  }
0x21a: {  	[tilespmem:s30+$0x13A40] =	vst @p2 v32  }
0x21b: {  	(erf) = vpow2.f32 @p0 v49;
	p5 =	seq.s32 s15, $0x1;
	p0 =	seq.s32 s23, $0x1;
	s23 =	sld [smem:$0x7F9]  }
0x21c: {  	v15 =	vpop @p5 (erf);
	s11 =	simm.s32 @!p0 $0x0  }
0x21d: {  	v39 =	vpop @p0 (erf);
	s11 =	simm.s32 @p0 $0x1  }
0x21e: {  	v32 =	vadd.f32 @p0 v39, v39;
	v39 =	vld.idx.msk @p2 [tilespmem:v53+s2+$0x0], $0xffff;
	[smem:$0x7FA] =	sst s11;
	p1 =	seq.s32 s23, $0x1  }
0x21f: {  	s15 =	sld [smem:$0x7F8];
	s11 =	simm.s32 @!p1 $0x0  }
0x220: {  	s16 =	sld [smem:$0x7F7];
	v32 =	vsub.f32 @p0 $1.000000000e+00, v32;
	s11 =	simm.s32 @p1 $0x1  }
0x221: {  	v15 =	vadd.f32 @p5 $1.000000000e+00, v15;
	v53 =	vld.idx.msk @p2 [tilespmem:v54+s2+$0x0], $0xffff;
	[smem:$0x7F9] =	sst s11  }
0x222: {  	s18 =	sld [smem:$0x7F4];
	[tilespmem:s28+$0xEBC0] =	vst @p0 v32  }
0x223: {  	p6 =	seq.s32 s15, $0x1;
	s15 =	sld [smem:$0x7F5]  }
0x224: {  	v16 =	vadd.f32 @p3 v16, v16  }
0x225: {  	(erf) = vrcp.f32 @p5 v15;
	v15 =	vmov @p0 v37;
	v37 =	vadd.s32 @p0 $0x4E20, v26;
	v54 =	vpop @p1 (erf)  }
0x226: {  	v16 =	vmul.f32 @p3 $1.442695020e+00, v16;
	v49 =	vadd.s32 @p0 $0x4E20, v15;
	p4 =	seq.s32 s16, $0x1;
	v54 =	vadd.f32 @p1 $1.000000000e+00, v54;
	s16 =	sld [smem:$0x7F6];
	p1 =	seq.s32 s15, $0x1  }
0x227: {  	p2 =	seq.s32 s18, $0x1;
	v27 =	vadd.f32 @p6 v27, v21;
	v60 =	vpop @p4 (erf);
	s18 =	sld [smem:$0x7F9];
	s11 =	simm.s32 @!p1 $0x0  }
0x228: {  	(erf) = vpow2.f32 @p3 v16;
	v16 =	vadd.f32 @p4 v60, v60;
	s23 =	sld [smem:$0x7FB];
	s11 =	simm.s32 @p1 $0x1  }
0x229: {  	v34 =	vadd.f32 v34, v9;
	v27 =	vadd.f32 @p6 v27, v27;
	p3 =	seq.s32 s16, $0x1;
	v9 =	vpop @p1 (erf);
	[smem:$0x7F5] =	sst s11  }
0x22a: {  	v16 =	vsub.f32 @p4 $1.000000000e+00, v16;
	v60 =	vpop @p3 (erf);
	p1 =	seq.s32 s18, $0x1;
	v37 =	vld.idx.msk @p0 [tilespmem:v37+s2+$0x0], $0xffff  }
0x22b: {  	v21 =	vmovc @p4 v46;
	v27 =	vmul.f32 @p6 $1.442695020e+00, v27;
	(erf) = vrcp.f32 @p1 v54;
	v54 =	vadd.f32 @p3 $1.000000000e+00, v60;
	v49 =	vld.idx.msk @p0 [tilespmem:v49+s2+$0x0], $0xffff;
	p0 =	seq.s32 s23, $0x1;
	s23 =	smov.u32 @p4 s17  }
0x22c: {  	v34 =	vadd.f32 v34, v34;
	v32 =	vadd.s32 @p4 $0x2710, v21;
	s15 =	sld [smem:$0x7FC];
	v60 =	vpop @p2 (erf);
	[tilespmem:s23+$0xEB40] =	vst @p4 v16  }
0x22d: {  	(erf) = vpow2.f32 @p6 v27;
	v27 =	vadd.f32 @p2 $1.000000000e+00, v60;
	v39 =	vadd.f32 @p0 v53, v39;
	v36 =	vld [tilespmem:$0x1FFE0]  }
0x22e: {  	v34 =	vmul.f32 $1.442695020e+00, v34;
	(erf) = vrcp.f32 @p3 v54;
	v53 =	vpop @p5 (erf);
	s16 =	sld [smem:$0x7FA];
	v38 =	vld [tilespmem:$0x1FFF0]  }
0x22f: {  	v46 =	vadd.s32 @p4 $0x2710, v35;
	(erf) = vrcp.f32 @p2 v27;
	s17 =	sld [smem:$0x7FB];
	v54 =	vmovc @p6 v19;
	v19 =	vmovc @p5 v28;
	v28 =	vadd.f32 @p0 v39, v39  }
0x230: {  	v35 =	vpsel p4, v35, v20;
	p2 =	seq.s32 s15, $0x1;
	s18 =	sld [smem:$0x7FC];
	v39 =	vadd.f32 @p5 v53, v53;
	(erf) = vpow2.f32 v34  }
0x231: {  	v27 =	vmovc @p3 v29;
	v29 =	vmovc @p2 v31;
	v31 =	vadd.s32 @p5 $0x7530, v55;
	v19 =	vadd.s32 @p5 $0x7530, v19;
	v16 =	vmul.f32 @p0 $1.442695020e+00, v28  }
0x232: {  	v20 =	vld.idx.msk @p4 [tilespmem:v32+s2+$0x0], $0xffff;
	p0 =	seq.s32 s16, $0x1;
	v22 =	vpsel p3, v27, v22;
	v27 =	vpsel p2, v29, v4;
	v29 =	vpsel p5, v31, v57;
	p2 =	seq.s32 s17, $0x1;
	s16 =	sld [smem:$0x7FB]  }
0x233: {  	v32 =	vmovc @p1 v50;
	v28 =	vpsel p0, v37, v36;
	v34 =	vpsel p0, v49, v38;
	v16 =	vpsel p2, v16, v52;
	p2 =	seq.s32 s18, $0x1  }
0x234: {  	v31 =	vpsel p5, v19, v59;
	v37 =	vpsel p5, v39, v40;
	v28 =	vadd.f32 @p0 v34, v28;
	v19 =	vpop @p2 (erf)  }
0x235: {  	s11 =	smov.u32 @p5 s29;
	s15 =	smov.u32 s1;
	v34 =	vsub.f32 @p5 $1.000000000e+00, v37;
	v37 =	vadd.f32 @p2 $1.000000000e+00, v19;
	p2 =	seq.s32 s16, $0x1  }
0x236: {  	s15 =	smov.u32 @p5 s11;
	v36 =	vld.idx.msk @p4 [tilespmem:v46+s2+$0x0], $0xffff;
	v19 =	vpsel p1, v32, v13;
	v32 =	vpop @p1 (erf);
	(erf) = vpow2.f32 @p2 v16;
	v16 =	vpsel p1, v30, v12  }
0x237: {  	[tilespmem:s15+$0x13A40] =	vst @p5 v34;
	v34 =	vpsel p4, v20, v58;
	v20 =	vmov @p1 v16;
	v16 =	vadd.f32 @p1 v32, v32  }
0x238: {  	s29 =	sld [smem:$0x7FC]  }
0x239: {  	s11 =	smov.u32 @p1 s19;
	s17 =	smov.u32 s12;
	v16 =	vsub.f32 @p1 $1.000000000e+00, v16  }
0x23a: {  	s17 =	smov.u32 @p1 s11  }
0x23b: {  	v52 =	vpsel p6, v24, v11;
	v28 =	vadd.f32 @p0 v28, v28;
	s16 =	sld [smem:$0x7FA];
	v24 =	vpsel p4, v36, v56;
	p2 =	seq.s32 s29, $0x1;
	[tilespmem:s17+$0xEBC0] =	vst @p1 v16  }
0x23c: {  	v29 =	vld.idx.msk @p5 [tilespmem:v29+s2+$0x0], $0xffff;
	v24 =	vadd.f32 @p4 v34, v24;
	(erf) = vrcp.f32 @p2 v37;
	v37 =	vmov @p6 v54;
	s18 =	sld [smem:$0x7F4]  }
0x23d: {  	v14 =	vpsel p3, v14, v33;
	v31 =	vld.idx.msk @p5 [tilespmem:v31+s2+$0x0], $0xffff;
	v38 =	vadd.s32 @p1 $0x4E20, v20;
	v28 =	vmul.f32 @p0 $1.442695020e+00, v28;
	v36 =	vmovc @p2 v51  }
0x23e: {  	v15 =	vpsel p0, v15, v5;
	v32 =	vadd.s32 @p1 $0x4E20, v19;
	v34 =	vpop @p6 (erf);
	p0 =	por p2, p2;
	v33 =	vpsel p2, v36, v8;
	p2 =	seq.s32 s16, $0x1;
	s19 =	sld [smem:$0x7FB]  }
0x23f: {  	v36 =	vpsel p6, v37, v17;
	(erf) = vpow2.f32 @p2 v28;
	v28 =	vadd.f32 @p4 v24, v24;
	v37 =	vpop @p3 (erf);
	p2 =	seq.s32 s18, $0x1  }
0x240: {  	v34 =	vadd.f32 @p6 $1.000000000e+00, v34;
	v24 =	vmov @p3 v22;
	v22 =	vmov @p3 v14;
	v14 =	vpop @p2 (erf)  }
0x241: {  	v37 =	vadd.f32 @p3 v37, v37;
	v28 =	vmul.f32 @p4 $1.442695020e+00, v28;
	p2 =	seq.s32 s19, $0x1;
	v53 =	vpop (erf)  }
0x242: {  	s11 =	smov.u32 @p3 s20;
	v29 =	vadd.f32 @p5 v31, v29;
	v38 =	vld.idx.msk @p1 [tilespmem:v38+s2+$0x0], $0xffff;
	(erf) = vrcp.f32 @p6 v34;
	v31 =	vpop @p2 (erf)  }
0x243: {  	s5 =	smov.u32 @p3 s11;
	(erf) = vpow2.f32 @p4 v28;
	v28 =	vadd.f32 @p2 $1.000000000e+00, v31;
	v31 =	vsub.f32 @p3 $1.000000000e+00, v37  }
0x244: {  	v32 =	vld.idx.msk @p1 [tilespmem:v32+s2+$0x0], $0xffff;
	s19 =	smov.u32 @p3 s5;
	v54 =	vadd.f32 $1.000000000e+00, v53  }
0x245: {  	v39 =	vadd.s32 @p3 $0x2710, v22;
	v29 =	vadd.f32 @p5 v29, v29;
	[tilespmem:s19+$0xEB40] =	vst @p3 v31  }
0x246: {  	v16 =	vadd.s32 @p3 $0x2710, v24;
	(erf) = vrcp.f32 v54;
	s20 =	sld [smem:$0x7FA]  }
0x247: {  	s5 =	simm.s32 @!p5 $0x0;
	v34 =	vpop @p0 (erf);
	(erf) = vrcp.f32 @p2 v28;
	v28 =	vmul.f32 @p5 $1.442695020e+00, v29;
	v31 =	vpsel p1, v38, v42  }
0x248: {  	s5 =	simm.s32 @p5 $0x1;
	v34 =	vadd.f32 @p0 v34, v34  }
0x249: {  	p2 =	por p5, p5;
	v29 =	vpsel p1, v32, v41;
	[smem:$0x7FD] =	sst s5;
	v28 =	vpsel p5, v28, v0;
	p5 =	seq.s32 s20, $0x1  }
0x24a: {  	v33 =	vadd.s32 @p0 $0x7530, v33;
	s5 =	smov.u32 s26;
	v29 =	vadd.f32 @p1 v31, v29;
	v32 =	vpsel p0, v34, v43;
	v34 =	vld.idx.msk @p3 [tilespmem:v39+s2+$0x0], $0xffff;
	v31 =	vpop @p5 (erf)  }
0x24b: {  	v27 =	vadd.s32 @p0 $0x7530, v27;
	v33 =	vpsel p0, v33, v47;
	s16 =	rddreg [dreg:$0xe];
	v16 =	vld.idx.msk @p3 [tilespmem:v16+s2+$0x0], $0xffff;
	s5 =	smov.u32 @p0 s0;
	s0 =	smov.u32 s3;
	v30 =	vpop @p6 (erf)  }
0x24c: {  	v27 =	vpsel p0, v27, v48;
	s11 =	smov.u32 s16;
	s0 =	smov.u32 @p0 s5;
	s5 =	smov.u32 @p6 s25;
	v30 =	vadd.f32 @p6 v30, v30  }
0x24d: {  	v55 =	vpsel p4, v21, v18;
	v32 =	vsub.f32 @p0 $1.000000000e+00, v32;
	s11 =	smov.u32 @p6 s5  }
0x24e: {  	v21 =	vpsel p6, v52, v5;
	s20 =	smov.u32 s14;
	s5 =	smov.u32 @p6 s11;
	v31 =	vadd.f32 @p5 $1.000000000e+00, v31;
	v30 =	vsub.f32 @p6 $1.000000000e+00, v30  }
0x24f: {  	v18 =	vmovc @p6 v36;
	(erf) = vpow2.f32 @p2 v28;
	v29 =	vadd.f32 @p1 v29, v29;
	[tilespmem:s0+$0x13A40] =	vst @p0 v32;
	s20 =	smov.u32 @p6 s5;
	v34 =	vpsel p3, v34, v45  }
0x250: {  	v32 =	vld.idx.msk @p0 [tilespmem:v33+s2+$0x0], $0xffff;
	v33 =	vmovc @p4 v35;
	v35 =	vadd.s32 @p6 $0x4E20, v21;
	v16 =	vpsel p3, v16, v44;
	(erf) = vrcp.f32 @p5 v31;
	[tilespmem:s20+$0xEBC0] =	vst @p6 v30  }
0x251: {  	v18 =	vpsel p6, v18, v10;
	v29 =	vmul.f32 @p1 $1.442695020e+00, v29;
	v27 =	vld.idx.msk @p0 [tilespmem:v27+s2+$0x0], $0xffff;
	v16 =	vadd.f32 @p3 v34, v16;
	s29 =	sld [smem:$0x7FB]  }
0x252: {  	v31 =	vadd.s32 @p6 $0x4E20, v18;
	v34 =	vpop @p4 (erf)  }
0x253: {  	(erf) = vpow2.f32 @p1 v29;
	v16 =	vadd.f32 @p3 v16, v16;
	v29 =	vadd.f32 @p4 $1.000000000e+00, v34  }
0x254: {  	p2 =	por p0, p0;
	v57 =	vpop (erf);
	s11 =	sld [smem:$0x7FD];
	p0 =	seq.s32 s29, $0x1  }
0x255: {  	v28 =	vpsel p4, v55, v12;
	v16 =	vmul.f32 @p3 $1.442695020e+00, v16;
	v12 =	vpop @p0 (erf);
	(erf) = vrcp.f32 @p4 v29;
	v29 =	vld.idx.msk @p6 [tilespmem:v35+s2+$0x0], $0xffff  }
0x256: {  	v61 =	vadd.s32 $0x2710, v1;
	v56 =	vpsel p5, v26, v10;
	v27 =	vadd.f32 @p2 v27, v32  }
0x257: {  	v60 =	vadd.s32 $0x2710, v0;
	v15 =	vpsel p5, v15, v6;
	v26 =	vpsel p5, v56, v7;
	v31 =	vld.idx.msk @p6 [tilespmem:v31+s2+$0x0], $0xffff;
	p0 =	seq.s32 s11, $0x1  }
0x258: {  	v15 =	vadd.s32 @p5 $0x7530, v15;
	v58 =	vpsel p4, v33, v13;
	v27 =	vadd.f32 @p2 v27, v27;
	v32 =	vpop @p0 (erf)  }
0x259: {  	s5 =	smov.u32 @p5 s28;
	v26 =	vadd.s32 @p5 $0x7530, v26;
	v59 =	vadd.f32 v57, v57;
	s11 =	smov.u32 s14;
	(erf) = vpow2.f32 @p3 v16;
	v16 =	vpop @p5 (erf)  }
0x25a: {  	v27 =	vmul.f32 @p2 $1.442695020e+00, v27;
	s11 =	smov.u32 @p5 s5;
	v16 =	vadd.f32 @p5 v16, v16;
	v25 =	vpsel p6, v29, v25  }
0x25b: {  	v26 =	vpsel p5, v26, v0;
	v30 =	vsub.f32 $1.000000000e+00, v59;
	v32 =	vadd.f32 @p0 $1.000000000e+00, v32;
	s5 =	smov.u32 @p5 s11;
	s11 =	smov.u32 s1  }
0x25c: {  	v27 =	vpsel p2, v27, v0;
	v23 =	vpsel p6, v31, v23;
	s11 =	smov.u32 @p5 s5;
	v16 =	vpsel p5, v16, v0  }
0x25d: {  	[tilespmem:s13+$0xEB40] =	vst v30;
	(erf) = vrcp.f32 @p0 v32;
	s5 =	smov.u32 @p5 s11;
	v23 =	vadd.f32 @p6 v25, v23;
	v16 =	vsub.f32 @p5 $1.000000000e+00, v16;
	v25 =	vpop @p1 (erf)  }
0x25e: {  	v15 =	vpsel p5, v15, v0;
	v33 =	vld.idx.msk [tilespmem:v60+s2+$0x0], $0xffff;
	(erf) = vpow2.f32 @p2 v27;
	v27 =	vpsel p4, v28, v4;
	s5 =	smov.u32 @p5 s5;
	v28 =	vpop @p4 (erf)  }
0x25f: {  	s6 =	smov.u32 @p4 s23;
	v30 =	vld.idx.msk [tilespmem:v61+s2+$0x0], $0xffff;
	[tilespmem:s5+$0x13A40] =	vst @p5 v16;
	v25 =	vadd.f32 @p1 $1.000000000e+00, v25;
	v16 =	vadd.f32 @p4 v28, v28  }
0x260: {  	s12 =	smov.u32 @p4 s6  }
0x261: {  	s6 =	smov.u32 @p4 s12;
	(erf) = vrcp.f32 @p1 v25;
	v16 =	vsub.f32 @p4 $1.000000000e+00, v16  }
0x262: {  	s11 =	smov.u32 s26;
	s26 =	smov.u32 @p4 s6;
	v31 =	vadd.f32 @p6 v23, v23;
	v26 =	vld.idx.msk @p5 [tilespmem:v26+s2+$0x0], $0xffff;
	v23 =	vmov @p4 v27  }
0x263: {  	v35 =	vpsel p3, v24, v17;
	v15 =	vld.idx.msk @p5 [tilespmem:v15+s2+$0x0], $0xffff;
	v24 =	vadd.s32 @p4 $0x4E20, v23;
	[tilespmem:s26+$0xEBC0] =	vst @p4 v16  }
0x264: {  	v13 =	vpsel p4, v58, v8;
	v37 =	vadd.f32 v30, v33;
	s18 =	sld [smem:$0x7FD]  }
0x265: {  	v39 =	vpsel p1, v19, v8;
	v27 =	vmul.f32 @p6 $1.442695020e+00, v31;
	v19 =	vpop @p3 (erf);
	v25 =	vadd.s32 @p4 $0x4E20, v13  }
0x266: {  	v36 =	vpsel p1, v20, v4;
	v20 =	vadd.f32 v37, v37;
	v19 =	vadd.f32 @p3 $1.000000000e+00, v19  }
0x267: {  	p0 =	por p1, p1;
	(erf) = vpow2.f32 @p6 v27;
	v16 =	vpsel p1, v36, v3;
	p1 =	seq.s32 s18, $0x1  }
0x268: {  	v40 =	vmul.f32 $1.442695020e+00, v20;
	v15 =	vadd.f32 @p5 v15, v26;
	v20 =	vld.idx.msk @p4 [tilespmem:v24+s2+$0x0], $0xffff;
	v4 =	vpop @p1 (erf);
	(erf) = vrcp.f32 @p3 v19  }
0x269: {  	v24 =	vpop @p2 (erf)  }
0x26a: {  	v38 =	vpsel p3, v22, v11;
	v8 =	vpsel p0, v39, v2;
	v22 =	vld.idx.msk @p4 [tilespmem:v25+s2+$0x0], $0xffff;
	v15 =	vadd.f32 @p5 v15, v15;
	v17 =	vpop @p0 (erf)  }
0x26b: {  	v41 =	vpsel p3, v38, v5;
	v8 =	vadd.s32 @p0 $0x7530, v8;
	v17 =	vadd.f32 @p0 v17, v17  }
0x26c: {  	v5 =	vpsel p3, v41, v6;
	s6 =	smov.u32 @p0 s17;
	v8 =	vpsel p0, v8, v0;
	v15 =	vmul.f32 @p5 $1.442695020e+00, v15  }
0x26d: {  	s11 =	smov.u32 @p0 s6;
	v11 =	vadd.f32 @p2 $1.000000000e+00, v24;
	v19 =	vpsel p4, v20, v63;
	v17 =	vpsel p0, v17, v0  }
0x26e: {  	s6 =	smov.u32 @p0 s11;
	s11 =	smov.u32 s3;
	(erf) = vpow2.f32 v40;
	v15 =	vpsel p5, v15, v0;
	v17 =	vsub.f32 @p0 $1.000000000e+00, v17  }
0x26f: {  	s11 =	smov.u32 @p0 s6;
	(erf) = vrcp.f32 @p2 v11;
	v11 =	vadd.s32 @p0 $0x7530, v16;
	v16 =	vpsel p4, v22, v62  }
0x270: {  	v42 =	vpsel p3, v35, v10;
	s6 =	smov.u32 @p0 s11;
	v11 =	vpsel p0, v11, v0;
	v16 =	vadd.f32 @p4 v19, v16;
	v19 =	vpop @p6 (erf)  }
0x271: {  	s16 =	smov.u32 @p3 s19;
	v10 =	vpsel p3, v42, v7;
	s6 =	smov.u32 @p0 s6;
	(erf) = vpow2.f32 @p5 v15;
	v19 =	vadd.f32 @p6 $1.000000000e+00, v19;
	v15 =	vpop @p3 (erf)  }
0x272: {  	s11 =	smov.u32 @p3 s16;
	[tilespmem:s6+$0x13A40] =	vst @p0 v17;
	v17 =	vmov @p3 v5;
	v5 =	vadd.f32 @p3 v15, v15;
	v15 =	vadd.s32 @p3 $0x4E20, v10  }
0x273: {  	s14 =	smov.u32 @p3 s11;
	v16 =	vadd.f32 @p4 v16, v16;
	(erf) = vrcp.f32 @p6 v19;
	v19 =	vadd.s32 @p3 $0x4E20, v17  }
0x274: {  	s11 =	smov.u32 @p3 s14;
	v8 =	vld.idx.msk @p0 [tilespmem:v8+s2+$0x0], $0xffff;
	v5 =	vsub.f32 @p3 $1.000000000e+00, v5  }
0x275: {  	s12 =	smov.u32 s1;
	s1 =	smov.u32 @p3 s11;
	v16 =	vmul.f32 @p4 $1.442695020e+00, v16;
	v11 =	vld.idx.msk @p0 [tilespmem:v11+s2+$0x0], $0xffff  }
0x276: {  	[tilespmem:s1+$0xEBC0] =	vst @p3 v5  }
0x277: {  	v43 =	vpop (erf);
	(erf) = vpow2.f32 @p4 v16;
	v15 =	vld.idx.msk @p3 [tilespmem:v15+s2+$0x0], $0xffff  }
0x278: {  	v44 =	vadd.f32 $1.000000000e+00, v43;
	v16 =	vld.idx.msk @p3 [tilespmem:v19+s2+$0x0], $0xffff  }
0x279: {  	v5 =	vpop @p2 (erf)  }
0x27a: {  	v8 =	vadd.f32 @p0 v11, v8;
	(erf) = vrcp.f32 v44;
	v11 =	vpop @p5 (erf)  }
0x27b: {  	v46 =	vpsel p6, v18, v7;
	v11 =	vadd.f32 @p5 $1.000000000e+00, v11  }
0x27c: {  	v45 =	vpsel p6, v21, v6;
	v7 =	vpsel p6, v46, v0;
	v8 =	vadd.f32 @p0 v8, v8  }
0x27d: {  	v18 =	vpop @p6 (erf);
	(erf) = vrcp.f32 @p5 v11;
	v11 =	vpsel p3, v15, v0;
	v15 =	vpsel p3, v16, v0  }
0x27e: {  	v6 =	vpsel p6, v45, v0;
	v7 =	vadd.s32 @p6 $0x7530, v7;
	s11 =	smov.u32 @p6 s20;
	v18 =	vadd.f32 @p6 v18, v18  }
0x27f: {  	v6 =	vadd.s32 @p6 $0x7530, v6;
	v7 =	vpsel p6, v7, v0;
	s12 =	smov.u32 @p6 s11;
	v8 =	vmul.f32 @p0 $1.442695020e+00, v8  }
0x280: {  	v6 =	vpsel p6, v6, v0;
	s11 =	smov.u32 @p6 s12;
	v16 =	vpsel p6, v18, v0;
	v11 =	vadd.f32 @p3 v15, v11;
	v15 =	vpop @p4 (erf)  }
0x281: {  	s11 =	smov.u32 @p6 s11;
	v8 =	vpsel p0, v8, v0;
	v16 =	vsub.f32 @p6 $1.000000000e+00, v16;
	v15 =	vadd.f32 @p4 $1.000000000e+00, v15  }
0x282: {  	s12 =	smov.u32 @p6 s11;
	(erf) = vpow2.f32 @p0 v8;
	v8 =	vadd.f32 @p3 v11, v11  }
0x283: {  	[tilespmem:s12+$0x13A40] =	vst @p6 v16;
	v47 =	vpop (erf);
	(erf) = vrcp.f32 @p4 v15  }
0x284: {  	v48 =	vadd.s32 $0x4E20, v0;
	v7 =	vld.idx.msk @p6 [tilespmem:v7+s2+$0x0], $0xffff;
	v11 =	vadd.f32 v47, v47;
	v8 =	vmul.f32 @p3 $1.442695020e+00, v8  }
0x285: {  	v49 =	vadd.s32 $0x4E20, v1;
	v18 =	vld.idx.msk @p6 [tilespmem:v6+s2+$0x0], $0xffff  }
0x286: {  	v50 =	vsub.f32 $1.000000000e+00, v11;
	(erf) = vpow2.f32 @p3 v8;
	_ =	sdelay $0x1  }
0x287: {  	[tilespmem:s13+$0xEBC0] =	vst v50  }
0x288: {  	v51 =	vld.idx.msk [tilespmem:v48+s2+$0x0], $0xffff  }
0x289: {  	v52 =	vpsel p4, v23, v3;
	v6 =	vpop @p5 (erf);
	v8 =	vmov @p4 v13;
	v7 =	vadd.f32 @p6 v18, v7;
	v54 =	vld.idx.msk [tilespmem:v49+s2+$0x0], $0xffff  }
0x28a: {  	v3 =	vpsel p4, v52, v0;
	v53 =	vpsel p4, v8, v2;
	v13 =	vpop @p0 (erf)  }
0x28b: {  	v3 =	vadd.s32 @p4 $0x7530, v3;
	v2 =	vpsel p4, v53, v0;
	v7 =	vadd.f32 @p6 v7, v7;
	v15 =	vpop @p4 (erf)  }
0x28c: {  	v13 =	vadd.f32 @p0 $1.000000000e+00, v13;
	v2 =	vadd.s32 @p4 $0x7530, v2;
	v15 =	vadd.f32 @p4 v15, v15  }
0x28d: {  	s11 =	smov.u32 @p4 s26;
	v3 =	vpsel p4, v3, v0;
	v7 =	vmul.f32 @p6 $1.442695020e+00, v7;
	v2 =	vpsel p4, v2, v0  }
0x28e: {  	s14 =	smov.u32 s3;
	s3 =	smov.u32 @p4 s11;
	(erf) = vrcp.f32 @p0 v13;
	v8 =	vadd.f32 v54, v51;
	v11 =	vpop @p3 (erf);
	v13 =	vpsel p4, v15, v0  }
0x28f: {  	s3 =	smov.u32 @p4 s3;
	v7 =	vpsel p6, v7, v0;
	v11 =	vadd.f32 @p3 $1.000000000e+00, v11;
	v13 =	vsub.f32 @p4 $1.000000000e+00, v13  }
0x290: {  	s3 =	smov.u32 @p4 s3;
	(erf) = vpow2.f32 @p6 v7;
	v55 =	vadd.f32 v8, v8  }
0x291: {  	(erf) = vrcp.f32 @p3 v11;
	[tilespmem:s3+$0x13A40] =	vst @p4 v13  }
0x292: {  	v7 =	vmul.f32 $1.442695020e+00, v55;
	v2 =	vld.idx.msk @p4 [tilespmem:v2+s2+$0x0], $0xffff  }
0x293: {  	v3 =	vld.idx.msk @p4 [tilespmem:v3+s2+$0x0], $0xffff  }
0x294: {  	(erf) = vpow2.f32 v7;
	_ =	sdelay $0x1  }
0x295: {  	v8 =	vpsel p3, v17, v0  }
0x296: {  	v7 =	vmov @p3 v10  }
0x297: {  	v10 =	vpop @p0 (erf);
	v7 =	vpsel p3, v7, v0;
	v2 =	vadd.f32 @p4 v3, v2  }
0x298: {  	v7 =	vpsel p3, v7, v0;
	v3 =	vmov @p3 v8;
	v8 =	vpop @p6 (erf)  }
0x299: {  	v7 =	vadd.s32 @p3 $0x7530, v7;
	v11 =	vpop @p3 (erf);
	v2 =	vadd.f32 @p4 v2, v2  }
0x29a: {  	v3 =	vpsel p3, v3, v0;
	v8 =	vadd.f32 @p6 $1.000000000e+00, v8;
	v11 =	vadd.f32 @p3 v11, v11  }
0x29b: {  	v7 =	vpsel p3, v7, v0;
	v3 =	vadd.s32 @p3 $0x7530, v3;
	v2 =	vmul.f32 @p4 $1.442695020e+00, v2  }
0x29c: {  	s1 =	smov.u32 @p3 s1;
	(erf) = vrcp.f32 @p6 v8;
	v3 =	vpsel p3, v3, v0;
	v56 =	vpop (erf);
	v8 =	vpsel p3, v11, v0  }
0x29d: {  	s1 =	smov.u32 @p3 s1;
	v11 =	vadd.f32 $1.000000000e+00, v56;
	v8 =	vsub.f32 @p3 $1.000000000e+00, v8;
	v2 =	vpsel p4, v2, v0  }
0x29e: {  	s1 =	smov.u32 @p3 s1;
	(erf) = vpow2.f32 @p4 v2  }
0x29f: {  	[tilespmem:s1+$0x13A40] =	vst @p3 v8;
	(erf) = vrcp.f32 v11  }
0x2a0: {  	v2 =	vld.idx.msk @p3 [tilespmem:v7+s2+$0x0], $0xffff  }
0x2a1: {  	v3 =	vld.idx.msk @p3 [tilespmem:v3+s2+$0x0], $0xffff;
	_ =	sdelay $0x4  }
0x2a2: {  	v7 =	vpop @p6 (erf);
	v2 =	vadd.f32 @p3 v3, v2  }
0x2a3: {  	v3 =	vpop @p4 (erf)  }
0x2a4: {  	v2 =	vadd.f32 @p3 v2, v2;
	v57 =	vpop (erf)  }
0x2a5: {  	v58 =	vadd.s32 $0x7530, v0;
	v8 =	vadd.f32 v57, v57  }
0x2a6: {  	v59 =	vadd.s32 $0x7530, v1;
	v3 =	vadd.f32 @p4 $1.000000000e+00, v3;
	v2 =	vmul.f32 @p3 $1.442695020e+00, v2  }
0x2a7: {  	v8 =	vsub.f32 $1.000000000e+00, v8  }
0x2a8: {  	(erf) = vrcp.f32 @p4 v3;
	v2 =	vpsel p3, v2, v58  }
0x2a9: {  	(erf) = vpow2.f32 @p3 v2;
	[tilespmem:s13+$0x13A40] =	vst v8  }
0x2aa: {  	v0 =	vld.idx.msk [tilespmem:v58+s2+$0x0], $0xffff  }
0x2ab: {  	v1 =	vld.idx.msk [tilespmem:v59+s2+$0x0], $0xffff;
	_ =	sdelay $0x4  }
0x2ac: {  	v0 =	vadd.f32 v1, v0  }
0x2ad: {  	v1 =	vpop @p4 (erf)  }
0x2ae: {  	v2 =	vpop @p3 (erf);
	v0 =	vadd.f32 v0, v0  }
0x2af: {  	v2 =	vadd.f32 @p3 $1.000000000e+00, v2  }
0x2b0: {  	v0 =	vmul.f32 $1.442695020e+00, v0  }
0x2b1: {  	(erf) = vrcp.f32 @p3 v2  }
0x2b2: {  	(erf) = vpow2.f32 v0;
	_ =	sdelay $0x2  }
0x2b3: {  	s20 =	sld [smem:$0x7F5];
	_ =	sdelay $0x2  }
0x2b4: {  	p5 =	seq.s32 s20, $0x1  }
0x2b5: {  	s23 =	sld [smem:$0x7FB];
	v3 =	vadd.f32 @p5 v9, v9  }
0x2b6: {  	s25 =	sld [smem:$0x7F4];
	v0 =	vpop @p3 (erf)  }
0x2b7: {  	v3 =	vsub.f32 @p5 $1.000000000e+00, v3;
	v60 =	vpop (erf)  }
0x2b8: {  	s26 =	sld [smem:$0x7FD];
	v2 =	vadd.f32 $1.000000000e+00, v60  }
0x2b9: {  	s28 =	sld [smem:$0x7FC];
	p1 =	seq.s32 s23, $0x1;
	p2 =	seq.s32 s25, $0x1;
	[tilespmem:s31+$0x13AC0] =	vst @p5 v3  }
0x2ba: {  	s11 =	smov.u32 @p1 s30;
	s30 =	sld [smem:$0x7F4];
	(erf) = vrcp.f32 v2;
	v2 =	vadd.f32 @p2 v14, v14  }
0x2bb: {  	p0 =	seq.s32 s26, $0x1;
	v8 =	vadd.f32 @p1 v12, v12  }
0x2bc: {  	s16 =	smov.u32 @p2 s24;
	s14 =	smov.u32 @p1 s11;
	s11 =	smov.u32 @p0 s15;
	v2 =	vsub.f32 @p2 $1.000000000e+00, v2  }
0x2bd: {  	s15 =	smov.u32 @p2 s16;
	s14 =	smov.u32 @p1 s14;
	v3 =	vsub.f32 @p1 $1.000000000e+00, v8;
	p1 =	seq.s32 s30, $0x1  }
0x2be: {  	s29 =	sld [smem:$0x7FA];
	[tilespmem:s15+$0x13AC0] =	vst @p1 v2  }
0x2bf: {  	p2 =	por p0, p0;
	s31 =	sld [smem:$0x7FB]  }
0x2c0: {  	v4 =	vadd.f32 @p2 v4, v4  }
0x2c1: {  	s11 =	smov.u32 @p0 s11;
	s15 =	sld [smem:$0x7F9]  }
0x2c2: {  	p0 =	seq.s32 s28, $0x1;
	s11 =	smov.u32 @p2 s11;
	v2 =	vsub.f32 @p2 $1.000000000e+00, v4;
	p2 =	seq.s32 s31, $0x1  }
0x2c3: {  	v5 =	vadd.f32 @p0 v5, v5;
	[tilespmem:s14+$0x13AC0] =	vst @p2 v3  }
0x2c4: {  	p1 =	seq.s32 s15, $0x1;
	s14 =	sld [smem:$0x7FD]  }
0x2c5: {  	p5 =	seq.s32 s29, $0x1;
	s0 =	smov.u32 @p0 s0;
	v3 =	vsub.f32 @p0 $1.000000000e+00, v5;
	v5 =	vadd.f32 @p1 v10, v10  }
0x2c6: {  	s0 =	smov.u32 @p0 s0;
	v4 =	vadd.f32 @p5 v6, v6;
	v61 =	vpop (erf)  }
0x2c7: {  	s6 =	smov.u32 @p1 s6;
	v62 =	vadd.f32 v61, v61;
	[tilespmem:s0+$0x13AC0] =	vst @p0 v3;
	v3 =	vsub.f32 @p1 $1.000000000e+00, v5;
	p2 =	seq.s32 s14, $0x1  }
0x2c8: {  	s5 =	smov.u32 @p5 s5;
	s0 =	smov.u32 @p1 s6;
	[tilespmem:s11+$0x13AC0] =	vst @p2 v2;
	v2 =	vsub.f32 @p5 $1.000000000e+00, v4;
	s11 =	smov.u32 @p6 s12;
	v4 =	vadd.f32 @p6 v7, v7  }
0x2c9: {  	v1 =	vadd.f32 @p4 v1, v1;
	s5 =	smov.u32 @p5 s5;
	v63 =	vsub.f32 $1.000000000e+00, v62;
	[tilespmem:s0+$0x13AC0] =	vst @p1 v3;
	s6 =	smov.u32 @p6 s11  }
0x2ca: {  	v0 =	vadd.f32 @p3 v0, v0;
	[tilespmem:s5+$0x13AC0] =	vst @p5 v2;
	s5 =	smov.u32 @p6 s6;
	v2 =	vsub.f32 @p6 $1.000000000e+00, v4  }
0x2cb: {  	s3 =	smov.u32 @p4 s3;
	v1 =	vsub.f32 @p4 $1.000000000e+00, v1;
	p0 =	sne.s32 s22, $0x1;
	[tilespmem:s13+$0x13AC0] =	vst v63;
	s0 =	smov.u32 @p6 s5  }
.Ltmp17:
0x2cc: {  	s1 =	smov.u32 @p3 s1;
	v0 =	vsub.f32 @p3 $1.000000000e+00, v0;
	[tilespmem:s0+$0x13AC0] =	vst @p6 v2;
	s0 =	smov.u32 @p4 s3;
	(pc) =	sbr.rel @!p0 .LBB2_37-.Ltmp17, $4  }
0x2cd: {  	[tilespmem:s0+$0x13AC0] =	vst @p4 v1;
	s0 =	smov.u32 @p3 s1  }
0x2ce: {  	[tilespmem:s0+$0x13AC0] =	vst @p3 v0  }
0x2cf: {  	s1 =	sadd.s32 $0xFFFFFFFF, s22;
	s0 =	simm.s32 $0x11240;
	s3 =	rddreg [dreg:$0x7]  }
0x2d0: {  	[hbm4b:s3+s2] =	stream.linear.scatter [tilespmem:s0], [sflag:$0x2], $0x80, $0x38;
	[tilespmem:$0x18940] =	vst v63  }
.LBB2_36:
0x2d1: {  	p1 =	sne.s32 s1, $0x1  }
.Ltmp18:
0x2d2: {  	_ = 	snop;
	(pc) =	sbr.rel @p1 .LBB2_36-.Ltmp18, $4  }
0x2d3: {  	_ = 	snop  }
0x2d4: {  	s0 =	sadd.s32 $0x100, s0;
	s3 =	sadd.s32 $0x20, s3  }
0x2d5: {  	s1 =	sadd.s32 $0xFFFFFFFF, s1  }
0x2d6: {  	[hbm4b:s3+s2] =	stream.linear.scatter [tilespmem:s0], [sflag:$0x2], $0x80, $0x38;
	[tilespmem:$0x18940] =	vst v63  }
.LBB2_37:
.Ltmp19:
0x2d7: {  	(pc) =	sbr.rel @!p0 .LBB2_39-.Ltmp19, $3  }
0x2d8: {  	_ =	sdelay $0x1  }
0x2d9: {  	s0 =	simm.s32 $0x112C0;
	s3 =	rddreg [dreg:$0x8];
	s1 =	sadd.s32 $0xFFFFFFFF, s22  }
0x2da: {  	[hbm4b:s3+s2] =	stream.linear.scatter [tilespmem:s0], [sflag:$0x2], $0x80, $0x38;
	[tilespmem:$0x18940] =	vst v63  }
.LBB2_38:
0x2db: {  	p1 =	sne.s32 s1, $0x1  }
.Ltmp20:
0x2dc: {  	_ = 	snop;
	(pc) =	sbr.rel @p1 .LBB2_38-.Ltmp20, $4  }
0x2dd: {  	_ = 	snop  }
0x2de: {  	s0 =	sadd.s32 $0x100, s0;
	s3 =	sadd.s32 $0x20, s3  }
0x2df: {  	s1 =	sadd.s32 $0xFFFFFFFF, s1  }
0x2e0: {  	[hbm4b:s3+s2] =	stream.linear.scatter [tilespmem:s0], [sflag:$0x2], $0x80, $0x38;
	[tilespmem:$0x18940] =	vst v63  }
.LBB2_39:
.Ltmp21:
0x2e1: {  	(pc) =	sbr.rel @!p0 .LBB2_41-.Ltmp21, $3  }
0x2e2: {  	_ =	sdelay $0x1  }
0x2e3: {  	s0 =	simm.s32 $0x16140;
	s3 =	rddreg [dreg:$0x9];
	s1 =	sadd.s32 $0xFFFFFFFF, s22  }
0x2e4: {  	[hbm4b:s3+s2] =	stream.linear.scatter [tilespmem:s0], [sflag:$0x2], $0x80, $0x38;
	[tilespmem:$0x18940] =	vst v63  }
.LBB2_40:
0x2e5: {  	p1 =	sne.s32 s1, $0x1  }
.Ltmp22:
0x2e6: {  	_ = 	snop;
	(pc) =	sbr.rel @p1 .LBB2_40-.Ltmp22, $4  }
0x2e7: {  	_ = 	snop  }
0x2e8: {  	s0 =	sadd.s32 $0x100, s0;
	s3 =	sadd.s32 $0x20, s3  }
0x2e9: {  	s1 =	sadd.s32 $0xFFFFFFFF, s1  }
0x2ea: {  	[hbm4b:s3+s2] =	stream.linear.scatter [tilespmem:s0], [sflag:$0x2], $0x80, $0x38;
	[tilespmem:$0x18940] =	vst v63  }
.LBB2_41:
.Ltmp23:
0x2eb: {  	(pc) =	sbr.rel @!p0 .LBB2_43-.Ltmp23, $3  }
0x2ec: {  	_ =	sdelay $0x1  }
0x2ed: {  	s0 =	simm.s32 $0x161C0;
	s3 =	rddreg [dreg:$0xa];
	s1 =	sadd.s32 $0xFFFFFFFF, s22  }
0x2ee: {  	[hbm4b:s3+s2] =	stream.linear.scatter [tilespmem:s0], [sflag:$0x2], $0x80, $0x38;
	[tilespmem:$0x18940] =	vst v63  }
.LBB2_42:
0x2ef: {  	p0 =	sne.s32 s1, $0x1  }
.Ltmp24:
0x2f0: {  	_ = 	snop;
	(pc) =	sbr.rel @p0 .LBB2_42-.Ltmp24, $4  }
0x2f1: {  	_ = 	snop  }
0x2f2: {  	s0 =	sadd.s32 $0x100, s0;
	s3 =	sadd.s32 $0x20, s3  }
0x2f3: {  	s1 =	sadd.s32 $0xFFFFFFFF, s1  }
0x2f4: {  	[hbm4b:s3+s2] =	stream.linear.scatter [tilespmem:s0], [sflag:$0x2], $0x80, $0x38;
	[tilespmem:$0x18940] =	vst v63  }
.LBB2_43:
0x2f5: {  	s3 =	simm.s32 $0x2  }
0x2f6: {  	_ =	swait.ge [sflag:s3], $0x1380  }
0x2f7: {  	[sflag:s3] =	ssyncset.done $0x0  }
0x2f8: {  	[sflag:s3] =	ssyncadd.s32 $0xFFFFEC80  }
0x2f9: {  	_ =	swait.ge [sflag:s3], $0x1380  }
0x2fa: {  	[sflag:s3] =	ssyncset.done $0x0  }
0x2fb: {  	[sflag:s3] =	ssyncadd.s32 $0xFFFFEC80  }
0x2fc: {  	_ =	swait.ge [sflag:s3], $0x1380  }
0x2fd: {  	[sflag:s3] =	ssyncset.done $0x0  }
0x2fe: {  	[sflag:s3] =	ssyncadd.s32 $0xFFFFEC80  }
0x2ff: {  	_ =	swait.ge [sflag:s3], $0x1380  }
0x300: {  	[sflag:s3] =	ssyncset.done $0x0  }
0x301: {  	s0 =	rddreg [dreg:$0xb];
	[sflag:s3] =	ssyncadd.s32 $0xFFFFEC80  }
0x302: {  	_ =	swait.ge [sflag:s3], s0  }
0x303: {  	[sflag:s3] =	ssyncset.done $0x0;
	s1 =	rddreg [dreg:$0xc]  }
0x304: {  	[sflag:s3] =	ssyncadd.s32 s1  }
0x305: {  	_ =	swait.ge [sflag:s3], s0  }
0x306: {  	[sflag:s3] =	ssyncset.done $0x0  }
0x307: {  	[sflag:s3] =	ssyncadd.s32 s1  }
0x308: {  	_ =	swait.ge [sflag:s3], s0  }
0x309: {  	[sflag:s3] =	ssyncset.done $0x0  }
0x30a: {  	[sflag:s3] =	ssyncadd.s32 s1  }
0x30b: {  	_ =	swait.ge [sflag:s3], s0  }
0x30c: {  	s21 =	sadd.s32 $0x1, s21;
	s0 =	rddreg [dreg:$0xd]  }
0x30d: {  	p0 =	sne.s32 s21, s0  }
.Ltmp25:
0x30e: {  	_ = 	snop;
	(pc) =	sbr.rel @p0 .LBB2_1-.Ltmp25, $4  }
.Ltmp26:
0x30f: {  	_ = 	snop;
	(pc) =	sbr.rel @!p0 .LBB2_44-.Ltmp26, $4  }
0x310: {  	_ = 	snop  }
0x311: {  	[sflag:s3] =	ssyncset.done $0x0  }
0x312: {  	[sflag:s3] =	ssyncadd.s32 s1  }
0x313: {  	_ = 	snop  }
.LBB2_12:
0x314: {  	p0 =	por $0x0, $0x0  }
0x315: {  	s0 =	simm.s32 @!p0 $0x0  }
0x316: {  	s0 =	simm.s32 @p0 $0x1;
	p0 =	por $0x0, $0x0  }
0x317: {  	[smem:$0x7F5] =	sst s0;
	s0 =	simm.s32 @!p0 $0x0  }
0x318: {  	s0 =	simm.s32 @p0 $0x1;
	p0 =	por $0x0, $0x0  }
0x319: {  	[smem:$0x7F6] =	sst s0;
	s0 =	simm.s32 @!p0 $0x0  }
0x31a: {  	p1 =	por $0x0, $0x0;
	s0 =	simm.s32 @p0 $0x1  }
0x31b: {  	[smem:$0x7F7] =	sst s0;
	s0 =	simm.s32 @!p1 $0x0  }
0x31c: {  	p2 =	por $0x0, $0x0;
	s0 =	simm.s32 @p1 $0x1  }
0x31d: {  	[smem:$0x7F8] =	sst s0;
	s0 =	simm.s32 @!p2 $0x0  }
0x31e: {  	p3 =	por $0x0, $0x0;
	s0 =	simm.s32 @p2 $0x1  }
.Ltmp27:
0x31f: {  	[smem:$0x7F9] =	sst s0;
	s0 =	simm.s32 @!p3 $0x0;
	(pc) =	sbr.rel .LBB2_35-.Ltmp27, $4  }
0x320: {  	p4 =	por $0x0, $0x0;
	s0 =	simm.s32 @p3 $0x1  }
0x321: {  	v0 =	vmov v2;
	[smem:$0x7FA] =	sst s0;
	s0 =	simm.s32 @!p4 $0x0  }
0x322: {  	s0 =	simm.s32 @p4 $0x1  }
0x323: {  	s13 =	smov.u32 s3;
	v1 =	vmov v3;
	p0 =	por $0x0, $0x0;
	[smem:$0x7FB] =	sst s0  }
.LBB2_14:
0x324: {  	p0 =	por $0x0, $0x0  }
0x325: {  	s0 =	simm.s32 @!p0 $0x0  }
0x326: {  	s0 =	simm.s32 @p0 $0x1;
	p0 =	por $0x1, $0x1  }
0x327: {  	[smem:$0x7F5] =	sst s0;
	s0 =	simm.s32 @!p0 $0x0  }
0x328: {  	s0 =	simm.s32 @p0 $0x1;
	p0 =	por $0x0, $0x0  }
0x329: {  	[smem:$0x7F6] =	sst s0;
	s0 =	simm.s32 @!p0 $0x0  }
0x32a: {  	p1 =	por $0x0, $0x0;
	s0 =	simm.s32 @p0 $0x1  }
0x32b: {  	[smem:$0x7F7] =	sst s0;
	s0 =	simm.s32 @!p1 $0x0  }
0x32c: {  	p2 =	por $0x0, $0x0;
	s0 =	simm.s32 @p1 $0x1  }
0x32d: {  	[smem:$0x7F8] =	sst s0;
	s0 =	simm.s32 @!p2 $0x0  }
0x32e: {  	p3 =	por $0x0, $0x0;
	s0 =	simm.s32 @p2 $0x1  }
.Ltmp28:
0x32f: {  	[smem:$0x7F9] =	sst s0;
	s0 =	simm.s32 @!p3 $0x0;
	(pc) =	sbr.rel .LBB2_35-.Ltmp28, $4  }
0x330: {  	p4 =	por $0x0, $0x0;
	s0 =	simm.s32 @p3 $0x1  }
0x331: {  	v29 =	vmov v2;
	[smem:$0x7FA] =	sst s0;
	s0 =	simm.s32 @!p4 $0x0  }
0x332: {  	s13 =	smov.u32 s1;
	s0 =	simm.s32 @p4 $0x1  }
0x333: {  	v0 =	vmov v7;
	s20 =	smov.u32 s3;
	v14 =	vmov v3;
	v1 =	vmov v6;
	p0 =	por $0x0, $0x0;
	[smem:$0x7FB] =	sst s0  }
.LBB2_16:
0x334: {  	p0 =	por $0x0, $0x0  }
0x335: {  	s0 =	simm.s32 @!p0 $0x0  }
0x336: {  	s0 =	simm.s32 @p0 $0x1;
	p0 =	por $0x1, $0x1  }
0x337: {  	[smem:$0x7F5] =	sst s0;
	s0 =	simm.s32 @!p0 $0x0  }
0x338: {  	s0 =	simm.s32 @p0 $0x1;
	p0 =	por $0x1, $0x1  }
0x339: {  	[smem:$0x7F6] =	sst s0;
	s0 =	simm.s32 @!p0 $0x0  }
0x33a: {  	p1 =	por $0x0, $0x0;
	s0 =	simm.s32 @p0 $0x1  }
0x33b: {  	[smem:$0x7F7] =	sst s0;
	s0 =	simm.s32 @!p1 $0x0  }
0x33c: {  	p2 =	por $0x0, $0x0;
	s0 =	simm.s32 @p1 $0x1  }
0x33d: {  	[smem:$0x7F8] =	sst s0;
	s0 =	simm.s32 @!p2 $0x0  }
0x33e: {  	p3 =	por $0x0, $0x0;
	s0 =	simm.s32 @p2 $0x1  }
.Ltmp29:
0x33f: {  	[smem:$0x7F9] =	sst s0;
	s0 =	simm.s32 @!p3 $0x0;
	(pc) =	sbr.rel .LBB2_35-.Ltmp29, $4  }
0x340: {  	p4 =	por $0x0, $0x0;
	s0 =	simm.s32 @p3 $0x1  }
0x341: {  	v35 =	vmov v2;
	[smem:$0x7FA] =	sst s0;
	s0 =	simm.s32 @!p4 $0x0  }
0x342: {  	s17 =	smov.u32 s3;
	s20 =	smov.u32 s1;
	s0 =	simm.s32 @p4 $0x1  }
0x343: {  	v29 =	vmovc v7;
	v0 =	vmovc v8;
	s13 =	smov.u32 s26;
	v46 =	vmov v3;
	v14 =	vmov v6;
	v1 =	vmov v4;
	p0 =	por $0x0, $0x0;
	[smem:$0x7FB] =	sst s0  }
.LBB2_18:
0x344: {  	p0 =	por $0x0, $0x0  }
0x345: {  	s0 =	simm.s32 @!p0 $0x0  }
0x346: {  	s0 =	simm.s32 @p0 $0x1;
	p0 =	por $0x1, $0x1  }
0x347: {  	[smem:$0x7F5] =	sst s0;
	s0 =	simm.s32 @!p0 $0x0  }
0x348: {  	s0 =	simm.s32 @p0 $0x1;
	p0 =	por $0x1, $0x1  }
0x349: {  	[smem:$0x7F6] =	sst s0;
	s0 =	simm.s32 @!p0 $0x0  }
0x34a: {  	p1 =	por $0x1, $0x1;
	s0 =	simm.s32 @p0 $0x1  }
0x34b: {  	[smem:$0x7F7] =	sst s0;
	s0 =	simm.s32 @!p1 $0x0  }
0x34c: {  	p2 =	por $0x0, $0x0;
	s0 =	simm.s32 @p1 $0x1  }
0x34d: {  	[smem:$0x7F8] =	sst s0;
	s0 =	simm.s32 @!p2 $0x0  }
0x34e: {  	p3 =	por $0x0, $0x0;
	s0 =	simm.s32 @p2 $0x1  }
.Ltmp30:
0x34f: {  	[smem:$0x7F9] =	sst s0;
	s0 =	simm.s32 @!p3 $0x0;
	(pc) =	sbr.rel .LBB2_35-.Ltmp30, $4  }
0x350: {  	p4 =	por $0x0, $0x0;
	s0 =	simm.s32 @p3 $0x1  }
0x351: {  	v19 =	vmov v2;
	s25 =	smov.u32 s3;
	[smem:$0x7FA] =	sst s0;
	s0 =	simm.s32 @!p4 $0x0  }
0x352: {  	v35 =	vmov v7;
	v29 =	vmov v8;
	s17 =	smov.u32 s1;
	s20 =	smov.u32 s26;
	s0 =	simm.s32 @p4 $0x1  }
0x353: {  	v0 =	vmovc v10;
	v24 =	vmovc v3;
	s13 =	smov.u32 s14;
	v46 =	vmov v6;
	v14 =	vmov v4;
	v1 =	vmov v5;
	p0 =	por $0x0, $0x0;
	[smem:$0x7FB] =	sst s0  }
.LBB2_20:
0x354: {  	p0 =	por $0x0, $0x0  }
0x355: {  	s0 =	simm.s32 @!p0 $0x0  }
0x356: {  	s0 =	simm.s32 @p0 $0x1;
	p0 =	por $0x1, $0x1  }
0x357: {  	[smem:$0x7F5] =	sst s0;
	s0 =	simm.s32 @!p0 $0x0  }
0x358: {  	s0 =	simm.s32 @p0 $0x1;
	p0 =	por $0x1, $0x1  }
0x359: {  	[smem:$0x7F6] =	sst s0;
	s0 =	simm.s32 @!p0 $0x0  }
0x35a: {  	p1 =	por $0x1, $0x1;
	s0 =	simm.s32 @p0 $0x1  }
0x35b: {  	[smem:$0x7F7] =	sst s0;
	s0 =	simm.s32 @!p1 $0x0  }
0x35c: {  	p2 =	por $0x1, $0x1;
	s0 =	simm.s32 @p1 $0x1  }
0x35d: {  	[smem:$0x7F8] =	sst s0;
	s0 =	simm.s32 @!p2 $0x0  }
0x35e: {  	p3 =	por $0x0, $0x0;
	s0 =	simm.s32 @p2 $0x1  }
.Ltmp31:
0x35f: {  	[smem:$0x7F9] =	sst s0;
	s0 =	simm.s32 @!p3 $0x0;
	(pc) =	sbr.rel .LBB2_35-.Ltmp31, $4  }
0x360: {  	p4 =	por $0x0, $0x0;
	s19 =	smov.u32 s3;
	s0 =	simm.s32 @p3 $0x1  }
0x361: {  	s25 =	smov.u32 s1;
	v50 =	vmov v2;
	[smem:$0x7FA] =	sst s0;
	s0 =	simm.s32 @!p4 $0x0  }
0x362: {  	v19 =	vmovc v7;
	v35 =	vmov v8;
	v29 =	vmov v10;
	v0 =	vmov v13;
	s17 =	smov.u32 s26;
	s20 =	smov.u32 s14;
	s0 =	simm.s32 @p4 $0x1  }
0x363: {  	v30 =	vmovc v3;
	v24 =	vmovc v6;
	s13 =	smov.u32 s12;
	v46 =	vmov v4;
	v14 =	vmov v5;
	v1 =	vmov v12;
	p0 =	por $0x0, $0x0;
	[smem:$0x7FB] =	sst s0  }
.LBB2_22:
0x364: {  	p0 =	por $0x0, $0x0  }
0x365: {  	s0 =	simm.s32 @!p0 $0x0  }
0x366: {  	s0 =	simm.s32 @p0 $0x1;
	p0 =	por $0x1, $0x1  }
0x367: {  	[smem:$0x7F5] =	sst s0;
	s0 =	simm.s32 @!p0 $0x0  }
0x368: {  	s0 =	simm.s32 @p0 $0x1;
	p0 =	por $0x1, $0x1  }
0x369: {  	[smem:$0x7F6] =	sst s0;
	s0 =	simm.s32 @!p0 $0x0  }
0x36a: {  	p1 =	por $0x1, $0x1;
	s0 =	simm.s32 @p0 $0x1  }
0x36b: {  	[smem:$0x7F7] =	sst s0;
	s0 =	simm.s32 @!p1 $0x0  }
0x36c: {  	p2 =	por $0x1, $0x1;
	p3 =	por $0x1, $0x1;
	s0 =	simm.s32 @p1 $0x1  }
.Ltmp32:
0x36d: {  	[smem:$0x7F8] =	sst s0;
	s0 =	simm.s32 @!p2 $0x0;
	(pc) =	sbr.rel .LBB2_35-.Ltmp32, $4  }
0x36e: {  	s19 =	smov.u32 s1;
	s25 =	smov.u32 s26;
	s0 =	simm.s32 @p2 $0x1  }
0x36f: {  	v19 =	vmov v8;
	s17 =	smov.u32 s14;
	v26 =	vmov v2;
	[smem:$0x7F9] =	sst s0;
	s0 =	simm.s32 @!p3 $0x0  }
0x370: {  	v35 =	vmovc v10;
	v29 =	vmovc v13;
	v0 =	vmov v17;
	v37 =	vmov v3;
	v30 =	vmov v6;
	s20 =	smov.u32 s12;
	s13 =	smov.u32 s28;
	s0 =	simm.s32 @p3 $0x1  }
0x371: {  	v24 =	vmovc v4;
	v46 =	vmovc v5;
	v14 =	vmov v12;
	s28 =	smov.u32 s3;
	v50 =	vmov v7;
	v1 =	vmov v11;
	p0 =	por $0x0, $0x0;
	[smem:$0x7FA] =	sst s0  }
.LBB2_24:
0x372: {  	p0 =	por $0x0, $0x0  }
0x373: {  	s0 =	simm.s32 @!p0 $0x0  }
0x374: {  	s0 =	simm.s32 @p0 $0x1;
	p0 =	por $0x1, $0x1  }
0x375: {  	[smem:$0x7F5] =	sst s0;
	s0 =	simm.s32 @!p0 $0x0  }
0x376: {  	s0 =	simm.s32 @p0 $0x1;
	p0 =	por $0x1, $0x1  }
0x377: {  	[smem:$0x7F6] =	sst s0;
	s0 =	simm.s32 @!p0 $0x0  }
0x378: {  	p1 =	por $0x1, $0x1;
	s0 =	simm.s32 @p0 $0x1  }
0x379: {  	p2 =	por $0x1, $0x1;
	[smem:$0x7F7] =	sst s0;
	s0 =	simm.s32 @!p1 $0x0  }
0x37a: {  	p3 =	por $0x1, $0x1;
	s19 =	smov.u32 s26;
	s0 =	simm.s32 @p1 $0x1  }
.Ltmp33:
0x37b: {  	[smem:$0x7F8] =	sst s0;
	s0 =	simm.s32 @!p2 $0x0;
	(pc) =	sbr.rel .LBB2_35-.Ltmp33, $4  }
0x37c: {  	v1 =	vmov v18;
	s25 =	smov.u32 s14;
	s17 =	smov.u32 s12;
	s0 =	simm.s32 @p2 $0x1  }
0x37d: {  	v19 =	vmovc v10;
	v35 =	vmovc v13;
	v29 =	vmov v17;
	v0 =	vmov v20;
	v30 =	vmov v4;
	s20 =	smov.u32 s28;
	[smem:$0x7F9] =	sst s0;
	s0 =	simm.s32 @!p3 $0x0  }
0x37e: {  	v24 =	vmovc v5;
	s13 =	smov.u32 s6;
	v46 =	vmovc v12;
	v14 =	vmov v11;
	v50 =	vmov v8;
	v32 =	vmov v62;
	s28 =	smov.u32 s1;
	s0 =	simm.s32 @p3 $0x1  }
0x37f: {  	v31 =	vmovc v3;
	v37 =	vmovc v6;
	v26 =	vmov v7;
	v51 =	vmov v2;
	v34 =	vmov v63;
	p0 =	por $0x0, $0x0;
	[smem:$0x7FA] =	sst s0;
	s0 =	smov.u32 s3  }
.LBB2_26:
0x380: {  	s0 =	simm.s32 @!p0 $0x0  }
0x381: {  	s0 =	simm.s32 @p0 $0x1;
	p0 =	por $0x1, $0x1  }
0x382: {  	[smem:$0x7F5] =	sst s0;
	s0 =	simm.s32 @!p0 $0x0  }
0x383: {  	s0 =	simm.s32 @p0 $0x1;
	p0 =	por $0x1, $0x1  }
0x384: {  	[smem:$0x7F6] =	sst s0;
	s0 =	simm.s32 @!p0 $0x0  }
0x385: {  	p1 =	por $0x1, $0x1;
	p2 =	por $0x1, $0x1;
	s0 =	simm.s32 @p0 $0x1  }
0x386: {  	p3 =	por $0x1, $0x1;
	[smem:$0x7F7] =	sst s0;
	s0 =	simm.s32 @!p1 $0x0  }
0x387: {  	s25 =	smov.u32 s12;
	s17 =	smov.u32 s28;
	s0 =	simm.s32 @p1 $0x1  }
.Ltmp34:
0x388: {  	[smem:$0x7F8] =	sst s0;
	s0 =	simm.s32 @!p2 $0x0;
	(pc) =	sbr.rel .LBB2_35-.Ltmp34, $4  }
0x389: {  	v1 =	vmov v33;
	v19 =	vmov v13;
	v35 =	vmov v17;
	s20 =	smov.u32 s6;
	s13 =	smov.u32 s5;
	s0 =	simm.s32 @p2 $0x1  }
0x38a: {  	v29 =	vmovc v20;
	v0 =	vmovc v22;
	v24 =	vmov v12;
	v46 =	vmov v11;
	v14 =	vmov v18;
	s19 =	smov.u32 s14;
	[smem:$0x7F9] =	sst s0;
	s0 =	simm.s32 @!p3 $0x0  }
0x38b: {  	v32 =	vmovc v23;
	v28 =	vmovc v3;
	v31 =	vmov v6;
	v37 =	vmov v4;
	v30 =	vmov v5;
	s28 =	smov.u32 s26;
	s29 =	smov.u32 s3;
	s0 =	simm.s32 @p3 $0x1  }
0x38c: {  	v26 =	vmovc v8;
	v55 =	vmovc v2;
	v51 =	vmov v7;
	v50 =	vmov v10;
	v34 =	vmov v25;
	p0 =	por $0x0, $0x0;
	[smem:$0x7FA] =	sst s0;
	s0 =	smov.u32 s1  }
.LBB2_28:
0x38d: {  	s0 =	simm.s32 @!p3 $0x0;
	p0 =	por $0x0, $0x0  }
.Ltmp35:
0x38e: {  	p4 =	por $0x1, $0x1;
	v1 =	vmov v14;
	v35 =	vmov v20;
	s17 =	smov.u32 s6;
	(pc) =	sbr.rel .LBB2_35-.Ltmp35, $4  }
0x38f: {  	v29 =	vmovc v22;
	s20 =	smov.u32 s5;
	v46 =	vmovc v18;
	v14 =	vmov v33;
	v32 =	vmov v41;
	v19 =	vmov v17;
	s19 =	smov.u32 s12;
	s0 =	simm.s32 @p3 $0x1  }
0x390: {  	v28 =	vmovc v6;
	v31 =	vmovc v4;
	s25 =	smov.u32 s28;
	v37 =	vmov v5;
	v30 =	vmov v12;
	v24 =	vmov v11;
	[smem:$0x7FA] =	sst s0;
	s0 =	simm.s32 @!p4 $0x0  }
0x391: {  	s30 =	smov.u32 s3;
	v26 =	vmovc v10;
	v53 =	vmovc v47;
	v54 =	vmov v48;
	s28 =	smov.u32 s14;
	v55 =	vmov v7;
	v51 =	vmov v8;
	s0 =	simm.s32 @p4 $0x1  }
0x392: {  	s29 =	smov.u32 s1;
	v50 =	vmovc v13;
	v34 =	vmovc v42;
	v39 =	vmov v43;
	v21 =	vmov v44;
	[smem:$0x7FB] =	sst s0;
	v27 =	vmov v45;
	s0 =	smov.u32 s26  }
.LBB2_30:
.Ltmp36:
0x393: {  	p4 =	por $0x1, $0x1;
	v29 =	vmov v0;
	s20 =	smov.u32 s13;
	(pc) =	sbr.rel .LBB2_35-.Ltmp36, $4  }
0x394: {  	v1 =	vmovc v61;
	v19 =	vmovc v20;
	v35 =	vmov v22;
	v0 =	vmov v60;
	v28 =	vmov v4;
	s19 =	smov.u32 s28;
	s25 =	smov.u32 s6;
	s17 =	smov.u32 s5  }
0x395: {  	v31 =	vmovc v5;
	v37 =	vmovc v12;
	v30 =	vmov v11;
	v24 =	vmov v18;
	s13 =	smov.u32 s15;
	s30 =	smov.u32 s1;
	v46 =	vmov v33;
	s0 =	simm.s32 @!p4 $0x0  }
0x396: {  	v26 =	vmovc v13;
	v53 =	vmovc v57;
	v54 =	vmov v59;
	s28 =	smov.u32 s12;
	s24 =	smov.u32 s3;
	v55 =	vmov v8;
	v51 =	vmov v10;
	s0 =	simm.s32 @p4 $0x1  }
0x397: {  	s29 =	smov.u32 s26;
	v50 =	vmovc v17;
	v39 =	vmovc v40;
	v49 =	vmov v52;
	v21 =	vmov v56;
	[smem:$0x7FB] =	sst s0;
	v27 =	vmov v58;
	s0 =	smov.u32 s14  }
.LBB2_32:
.Ltmp37:
0x398: {  	s17 =	smov.u32 s13;
	(pc) =	sbr.rel .LBB2_35-.Ltmp37, $4  }
0x399: {  	v35 =	vmovc v0;
	v46 =	vmov v14;
	v19 =	vmov v22;
	v29 =	vmov v60;
	s19 =	smov.u32 s6;
	s25 =	smov.u32 s5;
	s20 =	smov.u32 s15  }
0x39a: {  	v0 =	vmovc v62;
	v28 =	vmovc v5;
	v31 =	vmov v12;
	v37 =	vmov v11;
	v30 =	vmov v18;
	s13 =	smov.u32 s23;
	s30 =	smov.u32 s26;
	s28 =	rddreg [dreg:$0xe]  }
0x39b: {  	v24 =	vmovc v33;
	v14 =	vmovc v61;
	v26 =	vmov v17;
	s31 =	smov.u32 s3;
	s24 =	smov.u32 s1;
	v55 =	vmov v10;
	v51 =	vmov v13;
	s29 =	smov.u32 s14  }
0x39c: {  	s0 =	smov.u32 s12;
	v50 =	vmovc v20;
	s22 =	smov.u32 s21;
	s21 =	smov.u32 s18;
	v62 =	vmovc v23;
	v63 =	vmov v25;
	v23 =	vmov v36;
	v25 =	vmov v38  }
.LBB2_44:
0x39d: {  	_ =	sfence.sel $0x180000  }
0x39e: {  	[bflag:$0x0] =	sbarrier.arrive $0xFFFF  }
0x39f: {  	_ =	strace $0x90000047  }
0x3a0: {  	s0 =	stileid.u32;
	[bflag:$0x2] =	sbarrier.arrive $0xFFFF  }
0x3a1: {  	p0 =	sne.s32 s0, $0x0;
	s0 =	rddreg [dreg:$0x3]  }
0x3a2: {  	s0 =	sadd.s32 @!p0 $0x100000, s0  }
0x3a3: {  	[sflag:s0] =	ssyncadd.tile.s32 @!p0 $0x1;
	_ =	shalt  }
.Lfunc_end2:
_tile_overlayer_lowered:
.L_overlay_start_2:
0x3a4: {  	(tag) =	ssettag $0x2  }
0x3a5: {  	s0 =	rddreg [dreg:$0x0];
	s2 =	stileid.u32  }
0x3a6: {  	s1 =	rddreg [dreg:$0x1];
	p0 =	sne.s32 s2, $0x0  }
0x3a7: {  	s3 =	rddreg [dreg:$0x2];
	[bflag:$0x3] =	sbarrier.arrive $0xFFFF;
	s2 =	simm.s32 @!p0 $0x1C03  }
0x3a8: {  	[timem:s3], [sflag:s2] =	dma.local @!p0 [hbm:s0], s1  }
0x3a9: {  	s0 =	simm.s32 @!p0 $0x3  }
0x3aa: {  	_ =	swait.ge @!p0 [sflag:s0], s1  }
0x3ab: {  	s1 =	ssub.s32 @!p0 $0x0, s1;
	[sflag:s0] =	ssyncset.done @!p0 $0x0  }
0x3ac: {  	[sflag:s0] =	ssyncadd.s32 @!p0 s1  }
0x3ad: {  	[bflag:$0x3] =	sbarrier.arrive $0xFFFF  }
0x3ae: {  	_ =	shalt  }

</sc_bundles>
